<compile_context>
chip_gen: v7x
topology: tpu7x:2x2x1
jax: 0.10.2.dev20260603
libtpu: 0.0.44.dev20260713+nightly
codegen_flags: <defaults>
</compile_context>

<pallas_src>
import functools

import jax
import jax.numpy as jnp
from jax import lax
from jax.experimental import pallas as pl
from jax.experimental.pallas import tpu as pltpu
from jax.experimental.pallas import tpu_sc as plsc

_NC = 2
_NS = 16
_NW = _NC * _NS
_L = 16
_NSUB = 5
_UNROLL = 5


def _sc_segment_partials(energy, idx, num_images, chunk):
    mesh = plsc.VectorSubcoreMesh(core_axis_name="c", subcore_axis_name="s")
    sub = chunk // _NSUB
    nvec = sub // _L
    assert chunk == sub * _NSUB and sub % _L == 0 and nvec % _UNROLL == 0
    pitch = num_images + 1
    acc_len = _L * pitch

    @functools.partial(
        pl.kernel,
        mesh=mesh,
        compiler_params=pltpu.CompilerParams(needs_layout_passes=False),
        out_type=jax.ShapeDtypeStruct((_NW, num_images), jnp.float32),
        scratch_types=[
            pltpu.VMEM((acc_len,), jnp.float32),
            pltpu.VMEM((num_images,), jnp.float32),
            pltpu.VMEM((sub,), jnp.float32),
            pltpu.VMEM((sub,), jnp.float32),
            pltpu.VMEM((sub,), jnp.int32),
            pltpu.VMEM((sub,), jnp.int32),
            pltpu.VMEM((_L,), jnp.int32),
            pltpu.SemaphoreType.DMA,
            pltpu.SemaphoreType.DMA,
        ],
    )
    def k(e_hbm, i_hbm, out_hbm, acc, red, e_v0, e_v1, i_v0, i_v1, tail_v,
          sem0, sem1):
        c = lax.axis_index("c")
        s = lax.axis_index("s")
        wid = c * _NS + s
        base = wid * chunk
        e_bufs = (e_v0, e_v1)
        i_bufs = (i_v0, i_v1)
        sems = (sem0, sem1)

        def start(j):
            b = j % 2
            ce = pltpu.async_copy(
                e_hbm.at[pl.ds(base + j * sub, sub)], e_bufs[b], sems[b])
            ci = pltpu.async_copy(
                i_hbm.at[pl.ds(base + j * sub, sub)], i_bufs[b], sems[b])
            return ce, ci

        pend = start(0)
        ctail = pltpu.async_copy(
            i_hbm.at[pl.ds(base + chunk - _L, _L)], tail_v, sems[0])

        zero = jnp.zeros((_L,), jnp.float32)

        @plsc.parallel_loop(0, num_images // _L, unroll=8)
        def _(jv):
            red[pl.ds(jv * _L, _L)] = zero

        ctail.wait()
        for cc in pend:
            cc.wait()
        pend = ()

        lo = lax.reduce_min(i_bufs[0][pl.ds(0, _L)], (0,))
        hi = lax.reduce_max(tail_v[...], (0,))
        loa = lax.shift_left(lax.shift_right_logical(lo, 4), 4)
        nvz = lax.shift_right_logical(hi - loa, 4) + 1

        @plsc.parallel_loop(0, nvz)
        def _(jv):
            for r in range(_L):
                acc[pl.ds(r * pitch + loa + jv * _L, _L)] = zero

        lane_off = lax.iota(jnp.int32, _L) * pitch

        for j in range(_NSUB):
            b = j % 2
            for cc in pend:
                cc.wait()
            if j + 1 < _NSUB:
                pend = start(j + 1)
            else:
                pend = ()
            eb = e_bufs[b]
            ib = i_bufs[b]

            stride = nvec // _UNROLL

            @plsc.parallel_loop(0, stride)
            def _(v):
                for q in range(_UNROLL):
                    sl = pl.ds((q * stride + v) * _L, _L)
                    plsc.addupdate_scatter(
                        acc, [ib[sl] + lane_off], eb[sl])

        @plsc.parallel_loop(0, nvz)
        def _(jv):
            t = acc[pl.ds(loa + jv * _L, _L)]
            for r in range(1, _L):
                t = t + acc[pl.ds(r * pitch + loa + jv * _L, _L)]
            red[pl.ds(loa + jv * _L, _L)] = t

        pltpu.sync_copy(red, out_hbm.at[wid])

    return k(energy, idx)


def _tc_merge(partials, num_images):
    def body(p_ref, o_ref):
        o_ref[...] = jnp.sum(p_ref[...], axis=0)

    return pl.pallas_call(
        body,
        out_shape=jax.ShapeDtypeStruct((num_images,), jnp.float32),
    )(partials)


def kernel(atomic_energy, image_idx, n_atoms):
    n = atomic_energy.shape[0]
    num_images = n_atoms.shape[0]
    assert n % _NW == 0
    chunk = n // _NW

    idx32 = image_idx.astype(jnp.int32)
    energy = atomic_energy.astype(jnp.float32)

    partials = _sc_segment_partials(energy, idx32, num_images, chunk)
    return _tc_merge(partials, num_images)

# --- scband reference (transcript-rebuilt; emitter-appended) ---
"""Pipeline reference for scband-atomwise-reduce-14783277432839 (READ-ONLY COPY).

The authoritative reference and input builder live on the scoring server;
editing this copy changes nothing except your own understanding.
"""

import jax, jax.numpy as jnp
import numpy as np

N_ATOMS_TOTAL = 1600000
N_IMAGES = 4096


def setup_inputs(seed: int = 0) -> dict:
    key = jax.random.key(seed)
    k1, k2 = jax.random.split(key)
    atomic_energy = jax.random.normal(k1, (N_ATOMS_TOTAL,), dtype=jnp.float32)
    image_idx = jnp.sort(jax.random.randint(k2, (N_ATOMS_TOTAL,), 0, N_IMAGES, dtype=jnp.int64))
    n_atoms = jnp.ones((N_IMAGES,), dtype=jnp.float32)
    return {"atomic_energy": atomic_energy, "image_idx": image_idx, "n_atoms": n_atoms}


def reference(atomic_energy, image_idx, n_atoms):
    # AtomwiseReduce with aggregation_mode='sum', per_atom_output=False:
    # y = zeros_like(n_atoms, dtype=atomic_energy.dtype); y.index_add_(0, image_idx, atomic_energy)
    num_segments = n_atoms.shape[0]
    y = jnp.zeros((num_segments,), dtype=atomic_energy.dtype).at[image_idx].add(atomic_energy)
    # aggregation_mode == 'sum' -> no division by n_atoms
    return y

if __name__ == "__main__":
    import jax
    _d = setup_inputs()
    print(jax.jit(kernel)(*tuple(_d.values())))

</pallas_src>

<mosaic_0001>
#map = affine_map<(d0, d1) -> (0)>
#map1 = affine_map<(d0, d1) -> (0, 0)>
module attributes {stable_mosaic.version = 14 : i64} {
  func.func @k(%arg0: i32, %arg1: i32, %arg2: memref<1600000xf32, #tpu.memory_space<hbm>>, %arg3: memref<1600000xi32, #tpu.memory_space<hbm>>, %arg4: memref<32x4096xf32, #tpu.memory_space<hbm>>, %arg5: memref<65552xf32, #tpu.memory_space<vmem>>, %arg6: memref<4096xf32, #tpu.memory_space<vmem>>, %arg7: memref<10000xf32, #tpu.memory_space<vmem>>, %arg8: memref<10000xf32, #tpu.memory_space<vmem>>, %arg9: memref<10000xi32, #tpu.memory_space<vmem>>, %arg10: memref<10000xi32, #tpu.memory_space<vmem>>, %arg11: memref<16xi32, #tpu.memory_space<vmem>>, %arg12: memref<!tpu.dma_semaphore, #tpu.memory_space<semaphore_mem>>, %arg13: memref<!tpu.dma_semaphore, #tpu.memory_space<semaphore_mem>>) attributes {dimension_semantics = [#tpu.dimension_semantics<core_parallel>, #tpu.dimension_semantics<subcore_parallel>], iteration_bounds = array<i64: 2, 16>, scalar_prefetch = 0 : i64, scratch_operands = 9 : i64, tpu.core_type = #tpu.core_type<sc_vector_subcore>, window_params = [{transform_indices = #map}, {transform_indices = #map}, {transform_indices = #map1}]} {
    %mul3A = arith.constant 16 : i32
    %mul3A_0 = arith.muli %arg0, %mul3A : i32
    %add3A = arith.addi %mul3A_0, %arg1 : i32
    %mul3A_1 = arith.constant 50000 : i32
    %mul3A_2 = arith.muli %add3A, %mul3A_1 : i32
    %add3A_3 = arith.constant 0 : i32
    %add3A_4 = arith.addi %mul3A_2, %add3A_3 : i32
    %dma_start3A = tpu.memref_slice %arg2[%add3A_4] : memref<1600000xf32, #tpu.memory_space<hbm>> -> memref<10000xf32, #tpu.memory_space<hbm>>
    %dma_start3A_5 = tpu.memref_slice %arg2[%add3A_4] : memref<1600000xf32, #tpu.memory_space<hbm>> -> memref<10000xf32, #tpu.memory_space<hbm>>
    tpu.enqueue_dma source(%dma_start3A_5 : memref<10000xf32, #tpu.memory_space<hbm>>) target(%arg7 : memref<10000xf32, #tpu.memory_space<vmem>>) target_semaphore(%arg12 : memref<!tpu.dma_semaphore, #tpu.memory_space<semaphore_mem>>)
    %add3A_6 = arith.constant 0 : i32
    %add3A_7 = arith.addi %mul3A_2, %add3A_6 : i32
    %dma_start3A_8 = tpu.memref_slice %arg3[%add3A_7] : memref<1600000xi32, #tpu.memory_space<hbm>> -> memref<10000xi32, #tpu.memory_space<hbm>>
    %dma_start3A_9 = tpu.memref_slice %arg3[%add3A_7] : memref<1600000xi32, #tpu.memory_space<hbm>> -> memref<10000xi32, #tpu.memory_space<hbm>>
    tpu.enqueue_dma source(%dma_start3A_9 : memref<10000xi32, #tpu.memory_space<hbm>>) target(%arg9 : memref<10000xi32, #tpu.memory_space<vmem>>) target_semaphore(%arg12 : memref<!tpu.dma_semaphore, #tpu.memory_space<semaphore_mem>>)
    %add3A_10 = arith.constant 50000 : i32
    %add3A_11 = arith.addi %mul3A_2, %add3A_10 : i32
    %sub3A = arith.constant 16 : i32
    %sub3A_12 = arith.subi %add3A_11, %sub3A : i32
    %dma_start3A_13 = tpu.memref_slice %arg3[%sub3A_12] : memref<1600000xi32, #tpu.memory_space<hbm>> -> memref<16xi32, #tpu.memory_space<hbm>>
    %dma_start3A_14 = tpu.memref_slice %arg3[%sub3A_12] : memref<1600000xi32, #tpu.memory_space<hbm>> -> memref<16xi32, #tpu.memory_space<hbm>>
    tpu.enqueue_dma source(%dma_start3A_14 : memref<16xi32, #tpu.memory_space<hbm>>) target(%arg11 : memref<16xi32, #tpu.memory_space<vmem>>) target_semaphore(%arg12 : memref<!tpu.dma_semaphore, #tpu.memory_space<semaphore_mem>>)
    %broadcast_in_dim3A = arith.constant 0.000000e+00 : f32
    %broadcast_in_dim3A_15 = vector.broadcast %broadcast_in_dim3A : f32 to vector<16xf32>
    %parallel_loop3A = arith.constant 0 : i32
    %parallel_loop3A_16 = arith.constant 256 : i32
    %parallel_loop3A_17 = arith.constant 1 : i32
    scf.for %parallel_loop3A_117 = %parallel_loop3A to %parallel_loop3A_16 step %parallel_loop3A_17  : i32 {
      %parallel_loop3A_118 = arith.constant 16 : i32
      %parallel_loop3A_119 = arith.muli %parallel_loop3A_117, %parallel_loop3A_118 : i32
      %parallel_loop3A_120 = arith.index_cast %parallel_loop3A_119 : i32 to index
      %parallel_loop3A_121 = tpu.vector_load %arg6[%parallel_loop3A_120] {strides = array<i32>} : memref<4096xf32, #tpu.memory_space<vmem>>, vector<16xf32>,
      tpu.vector_store %arg6[%parallel_loop3A_120], %broadcast_in_dim3A_15 {strides = array<i32>} : memref<4096xf32, #tpu.memory_space<vmem>>, vector<16xf32>,
    } {sc.loop_unroll_factor = 8 : i64, sc.parallel_access}
    %dma_wait3A = tpu.memref_slice %arg3[%sub3A_12] : memref<1600000xi32, #tpu.memory_space<hbm>> -> memref<16xi32, #tpu.memory_space<hbm>>
    %dma_wait3A_18 = tpu.memref_slice %arg3[%sub3A_12] : memref<1600000xi32, #tpu.memory_space<hbm>> -> memref<16xi32, #tpu.memory_space<hbm>>
    tpu.wait_dma2 semaphore(%arg12 : memref<!tpu.dma_semaphore, #tpu.memory_space<semaphore_mem>>) src(%dma_wait3A_18 : memref<16xi32, #tpu.memory_space<hbm>>) dst(%arg11 : memref<16xi32, #tpu.memory_space<vmem>>)
    %dma_wait3A_19 = tpu.memref_slice %arg2[%add3A_4] : memref<1600000xf32, #tpu.memory_space<hbm>> -> memref<10000xf32, #tpu.memory_space<hbm>>
    %dma_wait3A_20 = tpu.memref_slice %arg2[%add3A_4] : memref<1600000xf32, #tpu.memory_space<hbm>> -> memref<10000xf32, #tpu.memory_space<hbm>>
    tpu.wait_dma2 semaphore(%arg12 : memref<!tpu.dma_semaphore, #tpu.memory_space<semaphore_mem>>) src(%dma_wait3A_20 : memref<10000xf32, #tpu.memory_space<hbm>>) dst(%arg7 : memref<10000xf32, #tpu.memory_space<vmem>>)
    %dma_wait3A_21 = tpu.memref_slice %arg3[%add3A_7] : memref<1600000xi32, #tpu.memory_space<hbm>> -> memref<10000xi32, #tpu.memory_space<hbm>>
    %dma_wait3A_22 = tpu.memref_slice %arg3[%add3A_7] : memref<1600000xi32, #tpu.memory_space<hbm>> -> memref<10000xi32, #tpu.memory_space<hbm>>
    tpu.wait_dma2 semaphore(%arg12 : memref<!tpu.dma_semaphore, #tpu.memory_space<semaphore_mem>>) src(%dma_wait3A_22 : memref<10000xi32, #tpu.memory_space<hbm>>) dst(%arg9 : memref<10000xi32, #tpu.memory_space<vmem>>)
    %get3A = arith.constant 0 : index
    %get3A_23 = tpu.vector_load %arg9[%get3A] {strides = array<i32>} : memref<10000xi32, #tpu.memory_space<vmem>>, vector<16xi32>,
    %reduce_min3A = arith.constant true
    %reduce_min3A_24 = vector.broadcast %reduce_min3A : i1 to vector<16xi1>
    %reduce_min3A_25 = arith.constant -2147483648 : i32
    %reduce_min3A_26 = vector.broadcast %reduce_min3A_25 : i32 to vector<16xi32>
    %reduce_min3A_27 = arith.xori %get3A_23, %reduce_min3A_26 : vector<16xi32>
    %reduce_min3A_28 = tpu.scan <min>, %reduce_min3A_27 masked %reduce_min3A_24 : vector<16xi32>, vector<16xi1> -> vector<16xi32>
    %reduce_min3A_29 = arith.xori %reduce_min3A_28, %reduce_min3A_26 : vector<16xi32>
    %reduce_min3A_30 = vector.extract %reduce_min3A_29[15] : i32 from vector<16xi32>
    %get3A_31 = arith.constant 0 : index
    %get3A_32 = tpu.vector_load %arg11[%get3A_31] {strides = array<i32>} : memref<16xi32, #tpu.memory_space<vmem>>, vector<16xi32>,
    %reduce_max3A = arith.constant true
    %reduce_max3A_33 = vector.broadcast %reduce_max3A : i1 to vector<16xi1>
    %reduce_max3A_34 = arith.constant -2147483648 : i32
    %reduce_max3A_35 = vector.broadcast %reduce_max3A_34 : i32 to vector<16xi32>
    %reduce_max3A_36 = arith.xori %get3A_32, %reduce_max3A_35 : vector<16xi32>
    %reduce_max3A_37 = tpu.scan <max>, %reduce_max3A_36 masked %reduce_max3A_33 : vector<16xi32>, vector<16xi1> -> vector<16xi32>
    %reduce_max3A_38 = arith.xori %reduce_max3A_37, %reduce_max3A_35 : vector<16xi32>
    %reduce_max3A_39 = vector.extract %reduce_max3A_38[15] : i32 from vector<16xi32>
    %shift_right_logical3A = arith.constant 4 : i32
    %shift_right_logical3A_40 = arith.shrui %reduce_min3A_30, %shift_right_logical3A : i32
    %shift_left3A = arith.constant 4 : i32
    %shift_left3A_41 = arith.shli %shift_right_logical3A_40, %shift_left3A : i32
    %sub3A_42 = arith.subi %reduce_max3A_39, %shift_left3A_41 : i32
    %shift_right_logical3A_43 = arith.constant 4 : i32
    %shift_right_logical3A_44 = arith.shrui %sub3A_42, %shift_right_logical3A_43 : i32
    %add3A_45 = arith.constant 1 : i32
    %add3A_46 = arith.addi %shift_right_logical3A_44, %add3A_45 : i32
    %parallel_loop3A_47 = arith.constant 0 : i32
    %parallel_loop3A_48 = arith.constant 1 : i32
    scf.for %parallel_loop3A_117 = %parallel_loop3A_47 to %add3A_46 step %parallel_loop3A_48  : i32 {
      %parallel_loop3A_118 = arith.constant 0 : i32
      %parallel_loop3A_119 = arith.addi %parallel_loop3A_118, %shift_left3A_41 : i32
      %parallel_loop3A_120 = arith.constant 16 : i32
      %parallel_loop3A_121 = arith.muli %parallel_loop3A_117, %parallel_loop3A_120 : i32
      %parallel_loop3A_122 = arith.addi %parallel_loop3A_119, %parallel_loop3A_121 : i32
      %parallel_loop3A_123 = arith.index_cast %parallel_loop3A_122 : i32 to index
      %parallel_loop3A_124 = tpu.vector_load %arg5[%parallel_loop3A_123] {strides = array<i32>} : memref<65552xf32, #tpu.memory_space<vmem>>, vector<16xf32>,
      tpu.vector_store %arg5[%parallel_loop3A_123], %broadcast_in_dim3A_15 {strides = array<i32>} : memref<65552xf32, #tpu.memory_space<vmem>>, vector<16xf32>,
      %parallel_loop3A_125 = arith.constant 4097 : i32
      %parallel_loop3A_126 = arith.addi %parallel_loop3A_125, %shift_left3A_41 : i32
      %parallel_loop3A_127 = arith.constant 16 : i32
      %parallel_loop3A_128 = arith.muli %parallel_loop3A_117, %parallel_loop3A_127 : i32
      %parallel_loop3A_129 = arith.addi %parallel_loop3A_126, %parallel_loop3A_128 : i32
      %parallel_loop3A_130 = arith.index_cast %parallel_loop3A_129 : i32 to index
      %parallel_loop3A_131 = tpu.vector_load %arg5[%parallel_loop3A_130] {strides = array<i32>} : memref<65552xf32, #tpu.memory_space<vmem>>, vector<16xf32>,
      tpu.vector_store %arg5[%parallel_loop3A_130], %broadcast_in_dim3A_15 {strides = array<i32>} : memref<65552xf32, #tpu.memory_space<vmem>>, vector<16xf32>,
      %parallel_loop3A_132 = arith.constant 8194 : i32
      %parallel_loop3A_133 = arith.addi %parallel_loop3A_132, %shift_left3A_41 : i32
      %parallel_loop3A_134 = arith.constant 16 : i32
      %parallel_loop3A_135 = arith.muli %parallel_loop3A_117, %parallel_loop3A_134 : i32
      %parallel_loop3A_136 = arith.addi %parallel_loop3A_133, %parallel_loop3A_135 : i32
      %parallel_loop3A_137 = arith.index_cast %parallel_loop3A_136 : i32 to index
      %parallel_loop3A_138 = tpu.vector_load %arg5[%parallel_loop3A_137] {strides = array<i32>} : memref<65552xf32, #tpu.memory_space<vmem>>, vector<16xf32>,
      tpu.vector_store %arg5[%parallel_loop3A_137], %broadcast_in_dim3A_15 {strides = array<i32>} : memref<65552xf32, #tpu.memory_space<vmem>>, vector<16xf32>,
      %parallel_loop3A_139 = arith.constant 12291 : i32
      %parallel_loop3A_140 = arith.addi %parallel_loop3A_139, %shift_left3A_41 : i32
      %parallel_loop3A_141 = arith.constant 16 : i32
      %parallel_loop3A_142 = arith.muli %parallel_loop3A_117, %parallel_loop3A_141 : i32
      %parallel_loop3A_143 = arith.addi %parallel_loop3A_140, %parallel_loop3A_142 : i32
      %parallel_loop3A_144 = arith.index_cast %parallel_loop3A_143 : i32 to index
      %parallel_loop3A_145 = tpu.vector_load %arg5[%parallel_loop3A_144] {strides = array<i32>} : memref<65552xf32, #tpu.memory_space<vmem>>, vector<16xf32>,
      tpu.vector_store %arg5[%parallel_loop3A_144], %broadcast_in_dim3A_15 {strides = array<i32>} : memref<65552xf32, #tpu.memory_space<vmem>>, vector<16xf32>,
      %parallel_loop3A_146 = arith.constant 16388 : i32
      %parallel_loop3A_147 = arith.addi %parallel_loop3A_146, %shift_left3A_41 : i32
      %parallel_loop3A_148 = arith.constant 16 : i32
      %parallel_loop3A_149 = arith.muli %parallel_loop3A_117, %parallel_loop3A_148 : i32
      %parallel_loop3A_150 = arith.addi %parallel_loop3A_147, %parallel_loop3A_149 : i32
      %parallel_loop3A_151 = arith.index_cast %parallel_loop3A_150 : i32 to index
      %parallel_loop3A_152 = tpu.vector_load %arg5[%parallel_loop3A_151] {strides = array<i32>} : memref<65552xf32, #tpu.memory_space<vmem>>, vector<16xf32>,
      tpu.vector_store %arg5[%parallel_loop3A_151], %broadcast_in_dim3A_15 {strides = array<i32>} : memref<65552xf32, #tpu.memory_space<vmem>>, vector<16xf32>,
      %parallel_loop3A_153 = arith.constant 20485 : i32
      %parallel_loop3A_154 = arith.addi %parallel_loop3A_153, %shift_left3A_41 : i32
      %parallel_loop3A_155 = arith.constant 16 : i32
      %parallel_loop3A_156 = arith.muli %parallel_loop3A_117, %parallel_loop3A_155 : i32
      %parallel_loop3A_157 = arith.addi %parallel_loop3A_154, %parallel_loop3A_156 : i32
      %parallel_loop3A_158 = arith.index_cast %parallel_loop3A_157 : i32 to index
      %parallel_loop3A_159 = tpu.vector_load %arg5[%parallel_loop3A_158] {strides = array<i32>} : memref<65552xf32, #tpu.memory_space<vmem>>, vector<16xf32>,
      tpu.vector_store %arg5[%parallel_loop3A_158], %broadcast_in_dim3A_15 {strides = array<i32>} : memref<65552xf32, #tpu.memory_space<vmem>>, vector<16xf32>,
      %parallel_loop3A_160 = arith.constant 24582 : i32
      %parallel_loop3A_161 = arith.addi %parallel_loop3A_160, %shift_left3A_41 : i32
      %parallel_loop3A_162 = arith.constant 16 : i32
      %parallel_loop3A_163 = arith.muli %parallel_loop3A_117, %parallel_loop3A_162 : i32
      %parallel_loop3A_164 = arith.addi %parallel_loop3A_161, %parallel_loop3A_163 : i32
      %parallel_loop3A_165 = arith.index_cast %parallel_loop3A_164 : i32 to index
      %parallel_loop3A_166 = tpu.vector_load %arg5[%parallel_loop3A_165] {strides = array<i32>} : memref<65552xf32, #tpu.memory_space<vmem>>, vector<16xf32>,
      tpu.vector_store %arg5[%parallel_loop3A_165], %broadcast_in_dim3A_15 {strides = array<i32>} : memref<65552xf32, #tpu.memory_space<vmem>>, vector<16xf32>,
      %parallel_loop3A_167 = arith.constant 28679 : i32
      %parallel_loop3A_168 = arith.addi %parallel_loop3A_167, %shift_left3A_41 : i32
      %parallel_loop3A_169 = arith.constant 16 : i32
      %parallel_loop3A_170 = arith.muli %parallel_loop3A_117, %parallel_loop3A_169 : i32
      %parallel_loop3A_171 = arith.addi %parallel_loop3A_168, %parallel_loop3A_170 : i32
      %parallel_loop3A_172 = arith.index_cast %parallel_loop3A_171 : i32 to index
      %parallel_loop3A_173 = tpu.vector_load %arg5[%parallel_loop3A_172] {strides = array<i32>} : memref<65552xf32, #tpu.memory_space<vmem>>, vector<16xf32>,
      tpu.vector_store %arg5[%parallel_loop3A_172], %broadcast_in_dim3A_15 {strides = array<i32>} : memref<65552xf32, #tpu.memory_space<vmem>>, vector<16xf32>,
      %parallel_loop3A_174 = arith.constant 32776 : i32
      %parallel_loop3A_175 = arith.addi %parallel_loop3A_174, %shift_left3A_41 : i32
      %parallel_loop3A_176 = arith.constant 16 : i32
      %parallel_loop3A_177 = arith.muli %parallel_loop3A_117, %parallel_loop3A_176 : i32
      %parallel_loop3A_178 = arith.addi %parallel_loop3A_175, %parallel_loop3A_177 : i32
      %parallel_loop3A_179 = arith.index_cast %parallel_loop3A_178 : i32 to index
      %parallel_loop3A_180 = tpu.vector_load %arg5[%parallel_loop3A_179] {strides = array<i32>} : memref<65552xf32, #tpu.memory_space<vmem>>, vector<16xf32>,
      tpu.vector_store %arg5[%parallel_loop3A_179], %broadcast_in_dim3A_15 {strides = array<i32>} : memref<65552xf32, #tpu.memory_space<vmem>>, vector<16xf32>,
      %parallel_loop3A_181 = arith.constant 36873 : i32
      %parallel_loop3A_182 = arith.addi %parallel_loop3A_181, %shift_left3A_41 : i32
      %parallel_loop3A_183 = arith.constant 16 : i32
      %parallel_loop3A_184 = arith.muli %parallel_loop3A_117, %parallel_loop3A_183 : i32
      %parallel_loop3A_185 = arith.addi %parallel_loop3A_182, %parallel_loop3A_184 : i32
      %parallel_loop3A_186 = arith.index_cast %parallel_loop3A_185 : i32 to index
      %parallel_loop3A_187 = tpu.vector_load %arg5[%parallel_loop3A_186] {strides = array<i32>} : memref<65552xf32, #tpu.memory_space<vmem>>, vector<16xf32>,
      tpu.vector_store %arg5[%parallel_loop3A_186], %broadcast_in_dim3A_15 {strides = array<i32>} : memref<65552xf32, #tpu.memory_space<vmem>>, vector<16xf32>,
      %parallel_loop3A_188 = arith.constant 40970 : i32
      %parallel_loop3A_189 = arith.addi %parallel_loop3A_188, %shift_left3A_41 : i32
      %parallel_loop3A_190 = arith.constant 16 : i32
      %parallel_loop3A_191 = arith.muli %parallel_loop3A_117, %parallel_loop3A_190 : i32
      %parallel_loop3A_192 = arith.addi %parallel_loop3A_189, %parallel_loop3A_191 : i32
      %parallel_loop3A_193 = arith.index_cast %parallel_loop3A_192 : i32 to index
      %parallel_loop3A_194 = tpu.vector_load %arg5[%parallel_loop3A_193] {strides = array<i32>} : memref<65552xf32, #tpu.memory_space<vmem>>, vector<16xf32>,
      tpu.vector_store %arg5[%parallel_loop3A_193], %broadcast_in_dim3A_15 {strides = array<i32>} : memref<65552xf32, #tpu.memory_space<vmem>>, vector<16xf32>,
      %parallel_loop3A_195 = arith.constant 45067 : i32
      %parallel_loop3A_196 = arith.addi %parallel_loop3A_195, %shift_left3A_41 : i32
      %parallel_loop3A_197 = arith.constant 16 : i32
      %parallel_loop3A_198 = arith.muli %parallel_loop3A_117, %parallel_loop3A_197 : i32
      %parallel_loop3A_199 = arith.addi %parallel_loop3A_196, %parallel_loop3A_198 : i32
      %parallel_loop3A_200 = arith.index_cast %parallel_loop3A_199 : i32 to index
      %parallel_loop3A_201 = tpu.vector_load %arg5[%parallel_loop3A_200] {strides = array<i32>} : memref<65552xf32, #tpu.memory_space<vmem>>, vector<16xf32>,
      tpu.vector_store %arg5[%parallel_loop3A_200], %broadcast_in_dim3A_15 {strides = array<i32>} : memref<65552xf32, #tpu.memory_space<vmem>>, vector<16xf32>,
      %parallel_loop3A_202 = arith.constant 49164 : i32
      %parallel_loop3A_203 = arith.addi %parallel_loop3A_202, %shift_left3A_41 : i32
      %parallel_loop3A_204 = arith.constant 16 : i32
      %parallel_loop3A_205 = arith.muli %parallel_loop3A_117, %parallel_loop3A_204 : i32
      %parallel_loop3A_206 = arith.addi %parallel_loop3A_203, %parallel_loop3A_205 : i32
      %parallel_loop3A_207 = arith.index_cast %parallel_loop3A_206 : i32 to index
      %parallel_loop3A_208 = tpu.vector_load %arg5[%parallel_loop3A_207] {strides = array<i32>} : memref<65552xf32, #tpu.memory_space<vmem>>, vector<16xf32>,
      tpu.vector_store %arg5[%parallel_loop3A_207], %broadcast_in_dim3A_15 {strides = array<i32>} : memref<65552xf32, #tpu.memory_space<vmem>>, vector<16xf32>,
      %parallel_loop3A_209 = arith.constant 53261 : i32
      %parallel_loop3A_210 = arith.addi %parallel_loop3A_209, %shift_left3A_41 : i32
      %parallel_loop3A_211 = arith.constant 16 : i32
      %parallel_loop3A_212 = arith.muli %parallel_loop3A_117, %parallel_loop3A_211 : i32
      %parallel_loop3A_213 = arith.addi %parallel_loop3A_210, %parallel_loop3A_212 : i32
      %parallel_loop3A_214 = arith.index_cast %parallel_loop3A_213 : i32 to index
      %parallel_loop3A_215 = tpu.vector_load %arg5[%parallel_loop3A_214] {strides = array<i32>} : memref<65552xf32, #tpu.memory_space<vmem>>, vector<16xf32>,
      tpu.vector_store %arg5[%parallel_loop3A_214], %broadcast_in_dim3A_15 {strides = array<i32>} : memref<65552xf32, #tpu.memory_space<vmem>>, vector<16xf32>,
      %parallel_loop3A_216 = arith.constant 57358 : i32
      %parallel_loop3A_217 = arith.addi %parallel_loop3A_216, %shift_left3A_41 : i32
      %parallel_loop3A_218 = arith.constant 16 : i32
      %parallel_loop3A_219 = arith.muli %parallel_loop3A_117, %parallel_loop3A_218 : i32
      %parallel_loop3A_220 = arith.addi %parallel_loop3A_217, %parallel_loop3A_219 : i32
      %parallel_loop3A_221 = arith.index_cast %parallel_loop3A_220 : i32 to index
      %parallel_loop3A_222 = tpu.vector_load %arg5[%parallel_loop3A_221] {strides = array<i32>} : memref<65552xf32, #tpu.memory_space<vmem>>, vector<16xf32>,
      tpu.vector_store %arg5[%parallel_loop3A_221], %broadcast_in_dim3A_15 {strides = array<i32>} : memref<65552xf32, #tpu.memory_space<vmem>>, vector<16xf32>,
      %parallel_loop3A_223 = arith.constant 61455 : i32
      %parallel_loop3A_224 = arith.addi %parallel_loop3A_223, %shift_left3A_41 : i32
      %parallel_loop3A_225 = arith.constant 16 : i32
      %parallel_loop3A_226 = arith.muli %parallel_loop3A_117, %parallel_loop3A_225 : i32
      %parallel_loop3A_227 = arith.addi %parallel_loop3A_224, %parallel_loop3A_226 : i32
      %parallel_loop3A_228 = arith.index_cast %parallel_loop3A_227 : i32 to index
      %parallel_loop3A_229 = tpu.vector_load %arg5[%parallel_loop3A_228] {strides = array<i32>} : memref<65552xf32, #tpu.memory_space<vmem>>, vector<16xf32>,
      tpu.vector_store %arg5[%parallel_loop3A_228], %broadcast_in_dim3A_15 {strides = array<i32>} : memref<65552xf32, #tpu.memory_space<vmem>>, vector<16xf32>,
    } {sc.loop_unroll_factor = 1 : i64, sc.parallel_access}
    %iota3A = tpu.iota {dimensions = array<i32: 0>} : vector<16xi32>
    %mul3A_49 = arith.constant 4097 : i32
    %mul3A_50 = vector.broadcast %mul3A_49 : i32 to vector<16xi32>
    %mul3A_51 = arith.muli %iota3A, %mul3A_50 : vector<16xi32>
    %add3A_52 = arith.constant 10000 : i32
    %add3A_53 = arith.addi %mul3A_2, %add3A_52 : i32
    %dma_start3A_54 = tpu.memref_slice %arg2[%add3A_53] : memref<1600000xf32, #tpu.memory_space<hbm>> -> memref<10000xf32, #tpu.memory_space<hbm>>
    %dma_start3A_55 = tpu.memref_slice %arg2[%add3A_53] : memref<1600000xf32, #tpu.memory_space<hbm>> -> memref<10000xf32, #tpu.memory_space<hbm>>
    tpu.enqueue_dma source(%dma_start3A_55 : memref<10000xf32, #tpu.memory_space<hbm>>) target(%arg8 : memref<10000xf32, #tpu.memory_space<vmem>>) target_semaphore(%arg13 : memref<!tpu.dma_semaphore, #tpu.memory_space<semaphore_mem>>)
    %add3A_56 = arith.constant 10000 : i32
    %add3A_57 = arith.addi %mul3A_2, %add3A_56 : i32
    %dma_start3A_58 = tpu.memref_slice %arg3[%add3A_57] : memref<1600000xi32, #tpu.memory_space<hbm>> -> memref<10000xi32, #tpu.memory_space<hbm>>
    %dma_start3A_59 = tpu.memref_slice %arg3[%add3A_57] : memref<1600000xi32, #tpu.memory_space<hbm>> -> memref<10000xi32, #tpu.memory_space<hbm>>
    tpu.enqueue_dma source(%dma_start3A_59 : memref<10000xi32, #tpu.memory_space<hbm>>) target(%arg10 : memref<10000xi32, #tpu.memory_space<vmem>>) target_semaphore(%arg13 : memref<!tpu.dma_semaphore, #tpu.memory_space<semaphore_mem>>)
    %parallel_loop3A_60 = arith.constant 0 : i32
    %parallel_loop3A_61 = arith.constant 125 : i32
    %parallel_loop3A_62 = arith.constant 1 : i32
    scf.for %parallel_loop3A_117 = %parallel_loop3A_60 to %parallel_loop3A_61 step %parallel_loop3A_62  : i32 {
      %parallel_loop3A_118 = arith.constant 0 : i32
      %parallel_loop3A_119 = arith.addi %parallel_loop3A_118, %parallel_loop3A_117 : i32
      %parallel_loop3A_120 = arith.constant 16 : i32
      %parallel_loop3A_121 = arith.muli %parallel_loop3A_119, %parallel_loop3A_120 : i32
      %parallel_loop3A_122 = arith.index_cast %parallel_loop3A_121 : i32 to index
      %parallel_loop3A_123 = tpu.vector_load %arg9[%parallel_loop3A_122] {strides = array<i32>} : memref<10000xi32, #tpu.memory_space<vmem>>, vector<16xi32>,
      %parallel_loop3A_124 = arith.addi %parallel_loop3A_123, %mul3A_51 : vector<16xi32>
      %parallel_loop3A_125 = arith.index_cast %parallel_loop3A_121 : i32 to index
      %parallel_loop3A_126 = tpu.vector_load %arg7[%parallel_loop3A_125] {strides = array<i32>} : memref<10000xf32, #tpu.memory_space<vmem>>, vector<16xf32>,
      tpu.vector_store_idx %arg5[%parallel_loop3A_124], %parallel_loop3A_126 {add = true} : memref<65552xf32, #tpu.memory_space<vmem>>[vector<16xi32>], vector<16xf32>,
      %parallel_loop3A_127 = arith.constant 125 : i32
      %parallel_loop3A_128 = arith.addi %parallel_loop3A_127, %parallel_loop3A_117 : i32
      %parallel_loop3A_129 = arith.constant 16 : i32
      %parallel_loop3A_130 = arith.muli %parallel_loop3A_128, %parallel_loop3A_129 : i32
      %parallel_loop3A_131 = arith.index_cast %parallel_loop3A_130 : i32 to index
      %parallel_loop3A_132 = tpu.vector_load %arg9[%parallel_loop3A_131] {strides = array<i32>} : memref<10000xi32, #tpu.memory_space<vmem>>, vector<16xi32>,
      %parallel_loop3A_133 = arith.addi %parallel_loop3A_132, %mul3A_51 : vector<16xi32>
      %parallel_loop3A_134 = arith.index_cast %parallel_loop3A_130 : i32 to index
      %parallel_loop3A_135 = tpu.vector_load %arg7[%parallel_loop3A_134] {strides = array<i32>} : memref<10000xf32, #tpu.memory_space<vmem>>, vector<16xf32>,
      tpu.vector_store_idx %arg5[%parallel_loop3A_133], %parallel_loop3A_135 {add = true} : memref<65552xf32, #tpu.memory_space<vmem>>[vector<16xi32>], vector<16xf32>,
      %parallel_loop3A_136 = arith.constant 250 : i32
      %parallel_loop3A_137 = arith.addi %parallel_loop3A_136, %parallel_loop3A_117 : i32
      %parallel_loop3A_138 = arith.constant 16 : i32
      %parallel_loop3A_139 = arith.muli %parallel_loop3A_137, %parallel_loop3A_138 : i32
      %parallel_loop3A_140 = arith.index_cast %parallel_loop3A_139 : i32 to index
      %parallel_loop3A_141 = tpu.vector_load %arg9[%parallel_loop3A_140] {strides = array<i32>} : memref<10000xi32, #tpu.memory_space<vmem>>, vector<16xi32>,
      %parallel_loop3A_142 = arith.addi %parallel_loop3A_141, %mul3A_51 : vector<16xi32>
      %parallel_loop3A_143 = arith.index_cast %parallel_loop3A_139 : i32 to index
      %parallel_loop3A_144 = tpu.vector_load %arg7[%parallel_loop3A_143] {strides = array<i32>} : memref<10000xf32, #tpu.memory_space<vmem>>, vector<16xf32>,
      tpu.vector_store_idx %arg5[%parallel_loop3A_142], %parallel_loop3A_144 {add = true} : memref<65552xf32, #tpu.memory_space<vmem>>[vector<16xi32>], vector<16xf32>,
      %parallel_loop3A_145 = arith.constant 375 : i32
      %parallel_loop3A_146 = arith.addi %parallel_loop3A_145, %parallel_loop3A_117 : i32
      %parallel_loop3A_147 = arith.constant 16 : i32
      %parallel_loop3A_148 = arith.muli %parallel_loop3A_146, %parallel_loop3A_147 : i32
      %parallel_loop3A_149 = arith.index_cast %parallel_loop3A_148 : i32 to index
      %parallel_loop3A_150 = tpu.vector_load %arg9[%parallel_loop3A_149] {strides = array<i32>} : memref<10000xi32, #tpu.memory_space<vmem>>, vector<16xi32>,
      %parallel_loop3A_151 = arith.addi %parallel_loop3A_150, %mul3A_51 : vector<16xi32>
      %parallel_loop3A_152 = arith.index_cast %parallel_loop3A_148 : i32 to index
      %parallel_loop3A_153 = tpu.vector_load %arg7[%parallel_loop3A_152] {strides = array<i32>} : memref<10000xf32, #tpu.memory_space<vmem>>, vector<16xf32>,
      tpu.vector_store_idx %arg5[%parallel_loop3A_151], %parallel_loop3A_153 {add = true} : memref<65552xf32, #tpu.memory_space<vmem>>[vector<16xi32>], vector<16xf32>,
      %parallel_loop3A_154 = arith.constant 500 : i32
      %parallel_loop3A_155 = arith.addi %parallel_loop3A_154, %parallel_loop3A_117 : i32
      %parallel_loop3A_156 = arith.constant 16 : i32
      %parallel_loop3A_157 = arith.muli %parallel_loop3A_155, %parallel_loop3A_156 : i32
      %parallel_loop3A_158 = arith.index_cast %parallel_loop3A_157 : i32 to index
      %parallel_loop3A_159 = tpu.vector_load %arg9[%parallel_loop3A_158] {strides = array<i32>} : memref<10000xi32, #tpu.memory_space<vmem>>, vector<16xi32>,
      %parallel_loop3A_160 = arith.addi %parallel_loop3A_159, %mul3A_51 : vector<16xi32>
      %parallel_loop3A_161 = arith.index_cast %parallel_loop3A_157 : i32 to index
      %parallel_loop3A_162 = tpu.vector_load %arg7[%parallel_loop3A_161] {strides = array<i32>} : memref<10000xf32, #tpu.memory_space<vmem>>, vector<16xf32>,
      tpu.vector_store_idx %arg5[%parallel_loop3A_160], %parallel_loop3A_162 {add = true} : memref<65552xf32, #tpu.memory_space<vmem>>[vector<16xi32>], vector<16xf32>,
    } {sc.loop_unroll_factor = 1 : i64, sc.parallel_access}
    %dma_wait3A_63 = tpu.memref_slice %arg2[%add3A_53] : memref<1600000xf32, #tpu.memory_space<hbm>> -> memref<10000xf32, #tpu.memory_space<hbm>>
    %dma_wait3A_64 = tpu.memref_slice %arg2[%add3A_53] : memref<1600000xf32, #tpu.memory_space<hbm>> -> memref<10000xf32, #tpu.memory_space<hbm>>
    tpu.wait_dma2 semaphore(%arg13 : memref<!tpu.dma_semaphore, #tpu.memory_space<semaphore_mem>>) src(%dma_wait3A_64 : memref<10000xf32, #tpu.memory_space<hbm>>) dst(%arg8 : memref<10000xf32, #tpu.memory_space<vmem>>)
    %dma_wait3A_65 = tpu.memref_slice %arg3[%add3A_57] : memref<1600000xi32, #tpu.memory_space<hbm>> -> memref<10000xi32, #tpu.memory_space<hbm>>
    %dma_wait3A_66 = tpu.memref_slice %arg3[%add3A_57] : memref<1600000xi32, #tpu.memory_space<hbm>> -> memref<10000xi32, #tpu.memory_space<hbm>>
    tpu.wait_dma2 semaphore(%arg13 : memref<!tpu.dma_semaphore, #tpu.memory_space<semaphore_mem>>) src(%dma_wait3A_66 : memref<10000xi32, #tpu.memory_space<hbm>>) dst(%arg10 : memref<10000xi32, #tpu.memory_space<vmem>>)
    %add3A_67 = arith.constant 20000 : i32
    %add3A_68 = arith.addi %mul3A_2, %add3A_67 : i32
    %dma_start3A_69 = tpu.memref_slice %arg2[%add3A_68] : memref<1600000xf32, #tpu.memory_space<hbm>> -> memref<10000xf32, #tpu.memory_space<hbm>>
    %dma_start3A_70 = tpu.memref_slice %arg2[%add3A_68] : memref<1600000xf32, #tpu.memory_space<hbm>> -> memref<10000xf32, #tpu.memory_space<hbm>>
    tpu.enqueue_dma source(%dma_start3A_70 : memref<10000xf32, #tpu.memory_space<hbm>>) target(%arg7 : memref<10000xf32, #tpu.memory_space<vmem>>) target_semaphore(%arg12 : memref<!tpu.dma_semaphore, #tpu.memory_space<semaphore_mem>>)
    %add3A_71 = arith.constant 20000 : i32
    %add3A_72 = arith.addi %mul3A_2, %add3A_71 : i32
    %dma_start3A_73 = tpu.memref_slice %arg3[%add3A_72] : memref<1600000xi32, #tpu.memory_space<hbm>> -> memref<10000xi32, #tpu.memory_space<hbm>>
    %dma_start3A_74 = tpu.memref_slice %arg3[%add3A_72] : memref<1600000xi32, #tpu.memory_space<hbm>> -> memref<10000xi32, #tpu.memory_space<hbm>>
    tpu.enqueue_dma source(%dma_start3A_74 : memref<10000xi32, #tpu.memory_space<hbm>>) target(%arg9 : memref<10000xi32, #tpu.memory_space<vmem>>) target_semaphore(%arg12 : memref<!tpu.dma_semaphore, #tpu.memory_space<semaphore_mem>>)
    %parallel_loop3A_75 = arith.constant 0 : i32
    %parallel_loop3A_76 = arith.constant 125 : i32
    %parallel_loop3A_77 = arith.constant 1 : i32
    scf.for %parallel_loop3A_117 = %parallel_loop3A_75 to %parallel_loop3A_76 step %parallel_loop3A_77  : i32 {
      %parallel_loop3A_118 = arith.constant 0 : i32
      %parallel_loop3A_119 = arith.addi %parallel_loop3A_118, %parallel_loop3A_117 : i32
      %parallel_loop3A_120 = arith.constant 16 : i32
      %parallel_loop3A_121 = arith.muli %parallel_loop3A_119, %parallel_loop3A_120 : i32
      %parallel_loop3A_122 = arith.index_cast %parallel_loop3A_121 : i32 to index
      %parallel_loop3A_123 = tpu.vector_load %arg10[%parallel_loop3A_122] {strides = array<i32>} : memref<10000xi32, #tpu.memory_space<vmem>>, vector<16xi32>,
      %parallel_loop3A_124 = arith.addi %parallel_loop3A_123, %mul3A_51 : vector<16xi32>
      %parallel_loop3A_125 = arith.index_cast %parallel_loop3A_121 : i32 to index
      %parallel_loop3A_126 = tpu.vector_load %arg8[%parallel_loop3A_125] {strides = array<i32>} : memref<10000xf32, #tpu.memory_space<vmem>>, vector<16xf32>,
      tpu.vector_store_idx %arg5[%parallel_loop3A_124], %parallel_loop3A_126 {add = true} : memref<65552xf32, #tpu.memory_space<vmem>>[vector<16xi32>], vector<16xf32>,
      %parallel_loop3A_127 = arith.constant 125 : i32
      %parallel_loop3A_128 = arith.addi %parallel_loop3A_127, %parallel_loop3A_117 : i32
      %parallel_loop3A_129 = arith.constant 16 : i32
      %parallel_loop3A_130 = arith.muli %parallel_loop3A_128, %parallel_loop3A_129 : i32
      %parallel_loop3A_131 = arith.index_cast %parallel_loop3A_130 : i32 to index
      %parallel_loop3A_132 = tpu.vector_load %arg10[%parallel_loop3A_131] {strides = array<i32>} : memref<10000xi32, #tpu.memory_space<vmem>>, vector<16xi32>,
      %parallel_loop3A_133 = arith.addi %parallel_loop3A_132, %mul3A_51 : vector<16xi32>
      %parallel_loop3A_134 = arith.index_cast %parallel_loop3A_130 : i32 to index
      %parallel_loop3A_135 = tpu.vector_load %arg8[%parallel_loop3A_134] {strides = array<i32>} : memref<10000xf32, #tpu.memory_space<vmem>>, vector<16xf32>,
      tpu.vector_store_idx %arg5[%parallel_loop3A_133], %parallel_loop3A_135 {add = true} : memref<65552xf32, #tpu.memory_space<vmem>>[vector<16xi32>], vector<16xf32>,
      %parallel_loop3A_136 = arith.constant 250 : i32
      %parallel_loop3A_137 = arith.addi %parallel_loop3A_136, %parallel_loop3A_117 : i32
      %parallel_loop3A_138 = arith.constant 16 : i32
      %parallel_loop3A_139 = arith.muli %parallel_loop3A_137, %parallel_loop3A_138 : i32
      %parallel_loop3A_140 = arith.index_cast %parallel_loop3A_139 : i32 to index
      %parallel_loop3A_141 = tpu.vector_load %arg10[%parallel_loop3A_140] {strides = array<i32>} : memref<10000xi32, #tpu.memory_space<vmem>>, vector<16xi32>,
      %parallel_loop3A_142 = arith.addi %parallel_loop3A_141, %mul3A_51 : vector<16xi32>
      %parallel_loop3A_143 = arith.index_cast %parallel_loop3A_139 : i32 to index
      %parallel_loop3A_144 = tpu.vector_load %arg8[%parallel_loop3A_143] {strides = array<i32>} : memref<10000xf32, #tpu.memory_space<vmem>>, vector<16xf32>,
      tpu.vector_store_idx %arg5[%parallel_loop3A_142], %parallel_loop3A_144 {add = true} : memref<65552xf32, #tpu.memory_space<vmem>>[vector<16xi32>], vector<16xf32>,
      %parallel_loop3A_145 = arith.constant 375 : i32
      %parallel_loop3A_146 = arith.addi %parallel_loop3A_145, %parallel_loop3A_117 : i32
      %parallel_loop3A_147 = arith.constant 16 : i32
      %parallel_loop3A_148 = arith.muli %parallel_loop3A_146, %parallel_loop3A_147 : i32
      %parallel_loop3A_149 = arith.index_cast %parallel_loop3A_148 : i32 to index
      %parallel_loop3A_150 = tpu.vector_load %arg10[%parallel_loop3A_149] {strides = array<i32>} : memref<10000xi32, #tpu.memory_space<vmem>>, vector<16xi32>,
      %parallel_loop3A_151 = arith.addi %parallel_loop3A_150, %mul3A_51 : vector<16xi32>
      %parallel_loop3A_152 = arith.index_cast %parallel_loop3A_148 : i32 to index
      %parallel_loop3A_153 = tpu.vector_load %arg8[%parallel_loop3A_152] {strides = array<i32>} : memref<10000xf32, #tpu.memory_space<vmem>>, vector<16xf32>,
      tpu.vector_store_idx %arg5[%parallel_loop3A_151], %parallel_loop3A_153 {add = true} : memref<65552xf32, #tpu.memory_space<vmem>>[vector<16xi32>], vector<16xf32>,
      %parallel_loop3A_154 = arith.constant 500 : i32
      %parallel_loop3A_155 = arith.addi %parallel_loop3A_154, %parallel_loop3A_117 : i32
      %parallel_loop3A_156 = arith.constant 16 : i32
      %parallel_loop3A_157 = arith.muli %parallel_loop3A_155, %parallel_loop3A_156 : i32
      %parallel_loop3A_158 = arith.index_cast %parallel_loop3A_157 : i32 to index
      %parallel_loop3A_159 = tpu.vector_load %arg10[%parallel_loop3A_158] {strides = array<i32>} : memref<10000xi32, #tpu.memory_space<vmem>>, vector<16xi32>,
      %parallel_loop3A_160 = arith.addi %parallel_loop3A_159, %mul3A_51 : vector<16xi32>
      %parallel_loop3A_161 = arith.index_cast %parallel_loop3A_157 : i32 to index
      %parallel_loop3A_162 = tpu.vector_load %arg8[%parallel_loop3A_161] {strides = array<i32>} : memref<10000xf32, #tpu.memory_space<vmem>>, vector<16xf32>,
      tpu.vector_store_idx %arg5[%parallel_loop3A_160], %parallel_loop3A_162 {add = true} : memref<65552xf32, #tpu.memory_space<vmem>>[vector<16xi32>], vector<16xf32>,
    } {sc.loop_unroll_factor = 1 : i64, sc.parallel_access}
    %dma_wait3A_78 = tpu.memref_slice %arg2[%add3A_68] : memref<1600000xf32, #tpu.memory_space<hbm>> -> memref<10000xf32, #tpu.memory_space<hbm>>
    %dma_wait3A_79 = tpu.memref_slice %arg2[%add3A_68] : memref<1600000xf32, #tpu.memory_space<hbm>> -> memref<10000xf32, #tpu.memory_space<hbm>>
    tpu.wait_dma2 semaphore(%arg12 : memref<!tpu.dma_semaphore, #tpu.memory_space<semaphore_mem>>) src(%dma_wait3A_79 : memref<10000xf32, #tpu.memory_space<hbm>>) dst(%arg7 : memref<10000xf32, #tpu.memory_space<vmem>>)
    %dma_wait3A_80 = tpu.memref_slice %arg3[%add3A_72] : memref<1600000xi32, #tpu.memory_space<hbm>> -> memref<10000xi32, #tpu.memory_space<hbm>>
    %dma_wait3A_81 = tpu.memref_slice %arg3[%add3A_72] : memref<1600000xi32, #tpu.memory_space<hbm>> -> memref<10000xi32, #tpu.memory_space<hbm>>
    tpu.wait_dma2 semaphore(%arg12 : memref<!tpu.dma_semaphore, #tpu.memory_space<semaphore_mem>>) src(%dma_wait3A_81 : memref<10000xi32, #tpu.memory_space<hbm>>) dst(%arg9 : memref<10000xi32, #tpu.memory_space<vmem>>)
    %add3A_82 = arith.constant 30000 : i32
    %add3A_83 = arith.addi %mul3A_2, %add3A_82 : i32
    %dma_start3A_84 = tpu.memref_slice %arg2[%add3A_83] : memref<1600000xf32, #tpu.memory_space<hbm>> -> memref<10000xf32, #tpu.memory_space<hbm>>
    %dma_start3A_85 = tpu.memref_slice %arg2[%add3A_83] : memref<1600000xf32, #tpu.memory_space<hbm>> -> memref<10000xf32, #tpu.memory_space<hbm>>
    tpu.enqueue_dma source(%dma_start3A_85 : memref<10000xf32, #tpu.memory_space<hbm>>) target(%arg8 : memref<10000xf32, #tpu.memory_space<vmem>>) target_semaphore(%arg13 : memref<!tpu.dma_semaphore, #tpu.memory_space<semaphore_mem>>)
    %add3A_86 = arith.constant 30000 : i32
    %add3A_87 = arith.addi %mul3A_2, %add3A_86 : i32
    %dma_start3A_88 = tpu.memref_slice %arg3[%add3A_87] : memref<1600000xi32, #tpu.memory_space<hbm>> -> memref<10000xi32, #tpu.memory_space<hbm>>
    %dma_start3A_89 = tpu.memref_slice %arg3[%add3A_87] : memref<1600000xi32, #tpu.memory_space<hbm>> -> memref<10000xi32, #tpu.memory_space<hbm>>
    tpu.enqueue_dma source(%dma_start3A_89 : memref<10000xi32, #tpu.memory_space<hbm>>) target(%arg10 : memref<10000xi32, #tpu.memory_space<vmem>>) target_semaphore(%arg13 : memref<!tpu.dma_semaphore, #tpu.memory_space<semaphore_mem>>)
    %parallel_loop3A_90 = arith.constant 0 : i32
    %parallel_loop3A_91 = arith.constant 125 : i32
    %parallel_loop3A_92 = arith.constant 1 : i32
    scf.for %parallel_loop3A_117 = %parallel_loop3A_90 to %parallel_loop3A_91 step %parallel_loop3A_92  : i32 {
      %parallel_loop3A_118 = arith.constant 0 : i32
      %parallel_loop3A_119 = arith.addi %parallel_loop3A_118, %parallel_loop3A_117 : i32
      %parallel_loop3A_120 = arith.constant 16 : i32
      %parallel_loop3A_121 = arith.muli %parallel_loop3A_119, %parallel_loop3A_120 : i32
      %parallel_loop3A_122 = arith.index_cast %parallel_loop3A_121 : i32 to index
      %parallel_loop3A_123 = tpu.vector_load %arg9[%parallel_loop3A_122] {strides = array<i32>} : memref<10000xi32, #tpu.memory_space<vmem>>, vector<16xi32>,
      %parallel_loop3A_124 = arith.addi %parallel_loop3A_123, %mul3A_51 : vector<16xi32>
      %parallel_loop3A_125 = arith.index_cast %parallel_loop3A_121 : i32 to index
      %parallel_loop3A_126 = tpu.vector_load %arg7[%parallel_loop3A_125] {strides = array<i32>} : memref<10000xf32, #tpu.memory_space<vmem>>, vector<16xf32>,
      tpu.vector_store_idx %arg5[%parallel_loop3A_124], %parallel_loop3A_126 {add = true} : memref<65552xf32, #tpu.memory_space<vmem>>[vector<16xi32>], vector<16xf32>,
      %parallel_loop3A_127 = arith.constant 125 : i32
      %parallel_loop3A_128 = arith.addi %parallel_loop3A_127, %parallel_loop3A_117 : i32
      %parallel_loop3A_129 = arith.constant 16 : i32
      %parallel_loop3A_130 = arith.muli %parallel_loop3A_128, %parallel_loop3A_129 : i32
      %parallel_loop3A_131 = arith.index_cast %parallel_loop3A_130 : i32 to index
      %parallel_loop3A_132 = tpu.vector_load %arg9[%parallel_loop3A_131] {strides = array<i32>} : memref<10000xi32, #tpu.memory_space<vmem>>, vector<16xi32>,
      %parallel_loop3A_133 = arith.addi %parallel_loop3A_132, %mul3A_51 : vector<16xi32>
      %parallel_loop3A_134 = arith.index_cast %parallel_loop3A_130 : i32 to index
      %parallel_loop3A_135 = tpu.vector_load %arg7[%parallel_loop3A_134] {strides = array<i32>} : memref<10000xf32, #tpu.memory_space<vmem>>, vector<16xf32>,
      tpu.vector_store_idx %arg5[%parallel_loop3A_133], %parallel_loop3A_135 {add = true} : memref<65552xf32, #tpu.memory_space<vmem>>[vector<16xi32>], vector<16xf32>,
      %parallel_loop3A_136 = arith.constant 250 : i32
      %parallel_loop3A_137 = arith.addi %parallel_loop3A_136, %parallel_loop3A_117 : i32
      %parallel_loop3A_138 = arith.constant 16 : i32
      %parallel_loop3A_139 = arith.muli %parallel_loop3A_137, %parallel_loop3A_138 : i32
      %parallel_loop3A_140 = arith.index_cast %parallel_loop3A_139 : i32 to index
      %parallel_loop3A_141 = tpu.vector_load %arg9[%parallel_loop3A_140] {strides = array<i32>} : memref<10000xi32, #tpu.memory_space<vmem>>, vector<16xi32>,
      %parallel_loop3A_142 = arith.addi %parallel_loop3A_141, %mul3A_51 : vector<16xi32>
      %parallel_loop3A_143 = arith.index_cast %parallel_loop3A_139 : i32 to index
      %parallel_loop3A_144 = tpu.vector_load %arg7[%parallel_loop3A_143] {strides = array<i32>} : memref<10000xf32, #tpu.memory_space<vmem>>, vector<16xf32>,
      tpu.vector_store_idx %arg5[%parallel_loop3A_142], %parallel_loop3A_144 {add = true} : memref<65552xf32, #tpu.memory_space<vmem>>[vector<16xi32>], vector<16xf32>,
      %parallel_loop3A_145 = arith.constant 375 : i32
      %parallel_loop3A_146 = arith.addi %parallel_loop3A_145, %parallel_loop3A_117 : i32
      %parallel_loop3A_147 = arith.constant 16 : i32
      %parallel_loop3A_148 = arith.muli %parallel_loop3A_146, %parallel_loop3A_147 : i32
      %parallel_loop3A_149 = arith.index_cast %parallel_loop3A_148 : i32 to index
      %parallel_loop3A_150 = tpu.vector_load %arg9[%parallel_loop3A_149] {strides = array<i32>} : memref<10000xi32, #tpu.memory_space<vmem>>, vector<16xi32>,
      %parallel_loop3A_151 = arith.addi %parallel_loop3A_150, %mul3A_51 : vector<16xi32>
      %parallel_loop3A_152 = arith.index_cast %parallel_loop3A_148 : i32 to index
      %parallel_loop3A_153 = tpu.vector_load %arg7[%parallel_loop3A_152] {strides = array<i32>} : memref<10000xf32, #tpu.memory_space<vmem>>, vector<16xf32>,
      tpu.vector_store_idx %arg5[%parallel_loop3A_151], %parallel_loop3A_153 {add = true} : memref<65552xf32, #tpu.memory_space<vmem>>[vector<16xi32>], vector<16xf32>,
      %parallel_loop3A_154 = arith.constant 500 : i32
      %parallel_loop3A_155 = arith.addi %parallel_loop3A_154, %parallel_loop3A_117 : i32
      %parallel_loop3A_156 = arith.constant 16 : i32
      %parallel_loop3A_157 = arith.muli %parallel_loop3A_155, %parallel_loop3A_156 : i32
      %parallel_loop3A_158 = arith.index_cast %parallel_loop3A_157 : i32 to index
      %parallel_loop3A_159 = tpu.vector_load %arg9[%parallel_loop3A_158] {strides = array<i32>} : memref<10000xi32, #tpu.memory_space<vmem>>, vector<16xi32>,
      %parallel_loop3A_160 = arith.addi %parallel_loop3A_159, %mul3A_51 : vector<16xi32>
      %parallel_loop3A_161 = arith.index_cast %parallel_loop3A_157 : i32 to index
      %parallel_loop3A_162 = tpu.vector_load %arg7[%parallel_loop3A_161] {strides = array<i32>} : memref<10000xf32, #tpu.memory_space<vmem>>, vector<16xf32>,
      tpu.vector_store_idx %arg5[%parallel_loop3A_160], %parallel_loop3A_162 {add = true} : memref<65552xf32, #tpu.memory_space<vmem>>[vector<16xi32>], vector<16xf32>,
    } {sc.loop_unroll_factor = 1 : i64, sc.parallel_access}
    %dma_wait3A_93 = tpu.memref_slice %arg2[%add3A_83] : memref<1600000xf32, #tpu.memory_space<hbm>> -> memref<10000xf32, #tpu.memory_space<hbm>>
    %dma_wait3A_94 = tpu.memref_slice %arg2[%add3A_83] : memref<1600000xf32, #tpu.memory_space<hbm>> -> memref<10000xf32, #tpu.memory_space<hbm>>
    tpu.wait_dma2 semaphore(%arg13 : memref<!tpu.dma_semaphore, #tpu.memory_space<semaphore_mem>>) src(%dma_wait3A_94 : memref<10000xf32, #tpu.memory_space<hbm>>) dst(%arg8 : memref<10000xf32, #tpu.memory_space<vmem>>)
    %dma_wait3A_95 = tpu.memref_slice %arg3[%add3A_87] : memref<1600000xi32, #tpu.memory_space<hbm>> -> memref<10000xi32, #tpu.memory_space<hbm>>
    %dma_wait3A_96 = tpu.memref_slice %arg3[%add3A_87] : memref<1600000xi32, #tpu.memory_space<hbm>> -> memref<10000xi32, #tpu.memory_space<hbm>>
    tpu.wait_dma2 semaphore(%arg13 : memref<!tpu.dma_semaphore, #tpu.memory_space<semaphore_mem>>) src(%dma_wait3A_96 : memref<10000xi32, #tpu.memory_space<hbm>>) dst(%arg10 : memref<10000xi32, #tpu.memory_space<vmem>>)
    %add3A_97 = arith.constant 40000 : i32
    %add3A_98 = arith.addi %mul3A_2, %add3A_97 : i32
    %dma_start3A_99 = tpu.memref_slice %arg2[%add3A_98] : memref<1600000xf32, #tpu.memory_space<hbm>> -> memref<10000xf32, #tpu.memory_space<hbm>>
    %dma_start3A_100 = tpu.memref_slice %arg2[%add3A_98] : memref<1600000xf32, #tpu.memory_space<hbm>> -> memref<10000xf32, #tpu.memory_space<hbm>>
    tpu.enqueue_dma source(%dma_start3A_100 : memref<10000xf32, #tpu.memory_space<hbm>>) target(%arg7 : memref<10000xf32, #tpu.memory_space<vmem>>) target_semaphore(%arg12 : memref<!tpu.dma_semaphore, #tpu.memory_space<semaphore_mem>>)
    %add3A_101 = arith.constant 40000 : i32
    %add3A_102 = arith.addi %mul3A_2, %add3A_101 : i32
    %dma_start3A_103 = tpu.memref_slice %arg3[%add3A_102] : memref<1600000xi32, #tpu.memory_space<hbm>> -> memref<10000xi32, #tpu.memory_space<hbm>>
    %dma_start3A_104 = tpu.memref_slice %arg3[%add3A_102] : memref<1600000xi32, #tpu.memory_space<hbm>> -> memref<10000xi32, #tpu.memory_space<hbm>>
    tpu.enqueue_dma source(%dma_start3A_104 : memref<10000xi32, #tpu.memory_space<hbm>>) target(%arg9 : memref<10000xi32, #tpu.memory_space<vmem>>) target_semaphore(%arg12 : memref<!tpu.dma_semaphore, #tpu.memory_space<semaphore_mem>>)
    %parallel_loop3A_105 = arith.constant 0 : i32
    %parallel_loop3A_106 = arith.constant 125 : i32
    %parallel_loop3A_107 = arith.constant 1 : i32
    scf.for %parallel_loop3A_117 = %parallel_loop3A_105 to %parallel_loop3A_106 step %parallel_loop3A_107  : i32 {
      %parallel_loop3A_118 = arith.constant 0 : i32
      %parallel_loop3A_119 = arith.addi %parallel_loop3A_118, %parallel_loop3A_117 : i32
      %parallel_loop3A_120 = arith.constant 16 : i32
      %parallel_loop3A_121 = arith.muli %parallel_loop3A_119, %parallel_loop3A_120 : i32
      %parallel_loop3A_122 = arith.index_cast %parallel_loop3A_121 : i32 to index
      %parallel_loop3A_123 = tpu.vector_load %arg10[%parallel_loop3A_122] {strides = array<i32>} : memref<10000xi32, #tpu.memory_space<vmem>>, vector<16xi32>,
      %parallel_loop3A_124 = arith.addi %parallel_loop3A_123, %mul3A_51 : vector<16xi32>
      %parallel_loop3A_125 = arith.index_cast %parallel_loop3A_121 : i32 to index
      %parallel_loop3A_126 = tpu.vector_load %arg8[%parallel_loop3A_125] {strides = array<i32>} : memref<10000xf32, #tpu.memory_space<vmem>>, vector<16xf32>,
      tpu.vector_store_idx %arg5[%parallel_loop3A_124], %parallel_loop3A_126 {add = true} : memref<65552xf32, #tpu.memory_space<vmem>>[vector<16xi32>], vector<16xf32>,
      %parallel_loop3A_127 = arith.constant 125 : i32
      %parallel_loop3A_128 = arith.addi %parallel_loop3A_127, %parallel_loop3A_117 : i32
      %parallel_loop3A_129 = arith.constant 16 : i32
      %parallel_loop3A_130 = arith.muli %parallel_loop3A_128, %parallel_loop3A_129 : i32
      %parallel_loop3A_131 = arith.index_cast %parallel_loop3A_130 : i32 to index
      %parallel_loop3A_132 = tpu.vector_load %arg10[%parallel_loop3A_131] {strides = array<i32>} : memref<10000xi32, #tpu.memory_space<vmem>>, vector<16xi32>,
      %parallel_loop3A_133 = arith.addi %parallel_loop3A_132, %mul3A_51 : vector<16xi32>
      %parallel_loop3A_134 = arith.index_cast %parallel_loop3A_130 : i32 to index
      %parallel_loop3A_135 = tpu.vector_load %arg8[%parallel_loop3A_134] {strides = array<i32>} : memref<10000xf32, #tpu.memory_space<vmem>>, vector<16xf32>,
      tpu.vector_store_idx %arg5[%parallel_loop3A_133], %parallel_loop3A_135 {add = true} : memref<65552xf32, #tpu.memory_space<vmem>>[vector<16xi32>], vector<16xf32>,
      %parallel_loop3A_136 = arith.constant 250 : i32
      %parallel_loop3A_137 = arith.addi %parallel_loop3A_136, %parallel_loop3A_117 : i32
      %parallel_loop3A_138 = arith.constant 16 : i32
      %parallel_loop3A_139 = arith.muli %parallel_loop3A_137, %parallel_loop3A_138 : i32
      %parallel_loop3A_140 = arith.index_cast %parallel_loop3A_139 : i32 to index
      %parallel_loop3A_141 = tpu.vector_load %arg10[%parallel_loop3A_140] {strides = array<i32>} : memref<10000xi32, #tpu.memory_space<vmem>>, vector<16xi32>,
      %parallel_loop3A_142 = arith.addi %parallel_loop3A_141, %mul3A_51 : vector<16xi32>
      %parallel_loop3A_143 = arith.index_cast %parallel_loop3A_139 : i32 to index
      %parallel_loop3A_144 = tpu.vector_load %arg8[%parallel_loop3A_143] {strides = array<i32>} : memref<10000xf32, #tpu.memory_space<vmem>>, vector<16xf32>,
      tpu.vector_store_idx %arg5[%parallel_loop3A_142], %parallel_loop3A_144 {add = true} : memref<65552xf32, #tpu.memory_space<vmem>>[vector<16xi32>], vector<16xf32>,
      %parallel_loop3A_145 = arith.constant 375 : i32
      %parallel_loop3A_146 = arith.addi %parallel_loop3A_145, %parallel_loop3A_117 : i32
      %parallel_loop3A_147 = arith.constant 16 : i32
      %parallel_loop3A_148 = arith.muli %parallel_loop3A_146, %parallel_loop3A_147 : i32
      %parallel_loop3A_149 = arith.index_cast %parallel_loop3A_148 : i32 to index
      %parallel_loop3A_150 = tpu.vector_load %arg10[%parallel_loop3A_149] {strides = array<i32>} : memref<10000xi32, #tpu.memory_space<vmem>>, vector<16xi32>,
      %parallel_loop3A_151 = arith.addi %parallel_loop3A_150, %mul3A_51 : vector<16xi32>
      %parallel_loop3A_152 = arith.index_cast %parallel_loop3A_148 : i32 to index
      %parallel_loop3A_153 = tpu.vector_load %arg8[%parallel_loop3A_152] {strides = array<i32>} : memref<10000xf32, #tpu.memory_space<vmem>>, vector<16xf32>,
      tpu.vector_store_idx %arg5[%parallel_loop3A_151], %parallel_loop3A_153 {add = true} : memref<65552xf32, #tpu.memory_space<vmem>>[vector<16xi32>], vector<16xf32>,
      %parallel_loop3A_154 = arith.constant 500 : i32
      %parallel_loop3A_155 = arith.addi %parallel_loop3A_154, %parallel_loop3A_117 : i32
      %parallel_loop3A_156 = arith.constant 16 : i32
      %parallel_loop3A_157 = arith.muli %parallel_loop3A_155, %parallel_loop3A_156 : i32
      %parallel_loop3A_158 = arith.index_cast %parallel_loop3A_157 : i32 to index
      %parallel_loop3A_159 = tpu.vector_load %arg10[%parallel_loop3A_158] {strides = array<i32>} : memref<10000xi32, #tpu.memory_space<vmem>>, vector<16xi32>,
      %parallel_loop3A_160 = arith.addi %parallel_loop3A_159, %mul3A_51 : vector<16xi32>
      %parallel_loop3A_161 = arith.index_cast %parallel_loop3A_157 : i32 to index
      %parallel_loop3A_162 = tpu.vector_load %arg8[%parallel_loop3A_161] {strides = array<i32>} : memref<10000xf32, #tpu.memory_space<vmem>>, vector<16xf32>,
      tpu.vector_store_idx %arg5[%parallel_loop3A_160], %parallel_loop3A_162 {add = true} : memref<65552xf32, #tpu.memory_space<vmem>>[vector<16xi32>], vector<16xf32>,
    } {sc.loop_unroll_factor = 1 : i64, sc.parallel_access}
    %dma_wait3A_108 = tpu.memref_slice %arg2[%add3A_98] : memref<1600000xf32, #tpu.memory_space<hbm>> -> memref<10000xf32, #tpu.memory_space<hbm>>
    %dma_wait3A_109 = tpu.memref_slice %arg2[%add3A_98] : memref<1600000xf32, #tpu.memory_space<hbm>> -> memref<10000xf32, #tpu.memory_space<hbm>>
    tpu.wait_dma2 semaphore(%arg12 : memref<!tpu.dma_semaphore, #tpu.memory_space<semaphore_mem>>) src(%dma_wait3A_109 : memref<10000xf32, #tpu.memory_space<hbm>>) dst(%arg7 : memref<10000xf32, #tpu.memory_space<vmem>>)
    %dma_wait3A_110 = tpu.memref_slice %arg3[%add3A_102] : memref<1600000xi32, #tpu.memory_space<hbm>> -> memref<10000xi32, #tpu.memory_space<hbm>>
    %dma_wait3A_111 = tpu.memref_slice %arg3[%add3A_102] : memref<1600000xi32, #tpu.memory_space<hbm>> -> memref<10000xi32, #tpu.memory_space<hbm>>
    tpu.wait_dma2 semaphore(%arg12 : memref<!tpu.dma_semaphore, #tpu.memory_space<semaphore_mem>>) src(%dma_wait3A_111 : memref<10000xi32, #tpu.memory_space<hbm>>) dst(%arg9 : memref<10000xi32, #tpu.memory_space<vmem>>)
    %parallel_loop3A_112 = arith.constant 0 : i32
    %parallel_loop3A_113 = arith.constant 125 : i32
    %parallel_loop3A_114 = arith.constant 1 : i32
    scf.for %parallel_loop3A_117 = %parallel_loop3A_112 to %parallel_loop3A_113 step %parallel_loop3A_114  : i32 {
      %parallel_loop3A_118 = arith.constant 0 : i32
      %parallel_loop3A_119 = arith.addi %parallel_loop3A_118, %parallel_loop3A_117 : i32
      %parallel_loop3A_120 = arith.constant 16 : i32
      %parallel_loop3A_121 = arith.muli %parallel_loop3A_119, %parallel_loop3A_120 : i32
      %parallel_loop3A_122 = arith.index_cast %parallel_loop3A_121 : i32 to index
      %parallel_loop3A_123 = tpu.vector_load %arg9[%parallel_loop3A_122] {strides = array<i32>} : memref<10000xi32, #tpu.memory_space<vmem>>, vector<16xi32>,
      %parallel_loop3A_124 = arith.addi %parallel_loop3A_123, %mul3A_51 : vector<16xi32>
      %parallel_loop3A_125 = arith.index_cast %parallel_loop3A_121 : i32 to index
      %parallel_loop3A_126 = tpu.vector_load %arg7[%parallel_loop3A_125] {strides = array<i32>} : memref<10000xf32, #tpu.memory_space<vmem>>, vector<16xf32>,
      tpu.vector_store_idx %arg5[%parallel_loop3A_124], %parallel_loop3A_126 {add = true} : memref<65552xf32, #tpu.memory_space<vmem>>[vector<16xi32>], vector<16xf32>,
      %parallel_loop3A_127 = arith.constant 125 : i32
      %parallel_loop3A_128 = arith.addi %parallel_loop3A_127, %parallel_loop3A_117 : i32
      %parallel_loop3A_129 = arith.constant 16 : i32
      %parallel_loop3A_130 = arith.muli %parallel_loop3A_128, %parallel_loop3A_129 : i32
      %parallel_loop3A_131 = arith.index_cast %parallel_loop3A_130 : i32 to index
      %parallel_loop3A_132 = tpu.vector_load %arg9[%parallel_loop3A_131] {strides = array<i32>} : memref<10000xi32, #tpu.memory_space<vmem>>, vector<16xi32>,
      %parallel_loop3A_133 = arith.addi %parallel_loop3A_132, %mul3A_51 : vector<16xi32>
      %parallel_loop3A_134 = arith.index_cast %parallel_loop3A_130 : i32 to index
      %parallel_loop3A_135 = tpu.vector_load %arg7[%parallel_loop3A_134] {strides = array<i32>} : memref<10000xf32, #tpu.memory_space<vmem>>, vector<16xf32>,
      tpu.vector_store_idx %arg5[%parallel_loop3A_133], %parallel_loop3A_135 {add = true} : memref<65552xf32, #tpu.memory_space<vmem>>[vector<16xi32>], vector<16xf32>,
      %parallel_loop3A_136 = arith.constant 250 : i32
      %parallel_loop3A_137 = arith.addi %parallel_loop3A_136, %parallel_loop3A_117 : i32
      %parallel_loop3A_138 = arith.constant 16 : i32
      %parallel_loop3A_139 = arith.muli %parallel_loop3A_137, %parallel_loop3A_138 : i32
      %parallel_loop3A_140 = arith.index_cast %parallel_loop3A_139 : i32 to index
      %parallel_loop3A_141 = tpu.vector_load %arg9[%parallel_loop3A_140] {strides = array<i32>} : memref<10000xi32, #tpu.memory_space<vmem>>, vector<16xi32>,
      %parallel_loop3A_142 = arith.addi %parallel_loop3A_141, %mul3A_51 : vector<16xi32>
      %parallel_loop3A_143 = arith.index_cast %parallel_loop3A_139 : i32 to index
      %parallel_loop3A_144 = tpu.vector_load %arg7[%parallel_loop3A_143] {strides = array<i32>} : memref<10000xf32, #tpu.memory_space<vmem>>, vector<16xf32>,
      tpu.vector_store_idx %arg5[%parallel_loop3A_142], %parallel_loop3A_144 {add = true} : memref<65552xf32, #tpu.memory_space<vmem>>[vector<16xi32>], vector<16xf32>,
      %parallel_loop3A_145 = arith.constant 375 : i32
      %parallel_loop3A_146 = arith.addi %parallel_loop3A_145, %parallel_loop3A_117 : i32
      %parallel_loop3A_147 = arith.constant 16 : i32
      %parallel_loop3A_148 = arith.muli %parallel_loop3A_146, %parallel_loop3A_147 : i32
      %parallel_loop3A_149 = arith.index_cast %parallel_loop3A_148 : i32 to index
      %parallel_loop3A_150 = tpu.vector_load %arg9[%parallel_loop3A_149] {strides = array<i32>} : memref<10000xi32, #tpu.memory_space<vmem>>, vector<16xi32>,
      %parallel_loop3A_151 = arith.addi %parallel_loop3A_150, %mul3A_51 : vector<16xi32>
      %parallel_loop3A_152 = arith.index_cast %parallel_loop3A_148 : i32 to index
      %parallel_loop3A_153 = tpu.vector_load %arg7[%parallel_loop3A_152] {strides = array<i32>} : memref<10000xf32, #tpu.memory_space<vmem>>, vector<16xf32>,
      tpu.vector_store_idx %arg5[%parallel_loop3A_151], %parallel_loop3A_153 {add = true} : memref<65552xf32, #tpu.memory_space<vmem>>[vector<16xi32>], vector<16xf32>,
      %parallel_loop3A_154 = arith.constant 500 : i32
      %parallel_loop3A_155 = arith.addi %parallel_loop3A_154, %parallel_loop3A_117 : i32
      %parallel_loop3A_156 = arith.constant 16 : i32
      %parallel_loop3A_157 = arith.muli %parallel_loop3A_155, %parallel_loop3A_156 : i32
      %parallel_loop3A_158 = arith.index_cast %parallel_loop3A_157 : i32 to index
      %parallel_loop3A_159 = tpu.vector_load %arg9[%parallel_loop3A_158] {strides = array<i32>} : memref<10000xi32, #tpu.memory_space<vmem>>, vector<16xi32>,
      %parallel_loop3A_160 = arith.addi %parallel_loop3A_159, %mul3A_51 : vector<16xi32>
      %parallel_loop3A_161 = arith.index_cast %parallel_loop3A_157 : i32 to index
      %parallel_loop3A_162 = tpu.vector_load %arg7[%parallel_loop3A_161] {strides = array<i32>} : memref<10000xf32, #tpu.memory_space<vmem>>, vector<16xf32>,
      tpu.vector_store_idx %arg5[%parallel_loop3A_160], %parallel_loop3A_162 {add = true} : memref<65552xf32, #tpu.memory_space<vmem>>[vector<16xi32>], vector<16xf32>,
    } {sc.loop_unroll_factor = 1 : i64, sc.parallel_access}
    %parallel_loop3A_115 = arith.constant 0 : i32
    %parallel_loop3A_116 = arith.constant 1 : i32
    scf.for %parallel_loop3A_117 = %parallel_loop3A_115 to %add3A_46 step %parallel_loop3A_116  : i32 {
      %parallel_loop3A_118 = arith.constant 16 : i32
      %parallel_loop3A_119 = arith.muli %parallel_loop3A_117, %parallel_loop3A_118 : i32
      %parallel_loop3A_120 = arith.addi %shift_left3A_41, %parallel_loop3A_119 : i32
      %parallel_loop3A_121 = arith.index_cast %parallel_loop3A_120 : i32 to index
      %parallel_loop3A_122 = tpu.vector_load %arg5[%parallel_loop3A_121] {strides = array<i32>} : memref<65552xf32, #tpu.memory_space<vmem>>, vector<16xf32>,
      %parallel_loop3A_123 = arith.constant 4097 : i32
      %parallel_loop3A_124 = arith.addi %parallel_loop3A_123, %shift_left3A_41 : i32
      %parallel_loop3A_125 = arith.constant 16 : i32
      %parallel_loop3A_126 = arith.muli %parallel_loop3A_117, %parallel_loop3A_125 : i32
      %parallel_loop3A_127 = arith.addi %parallel_loop3A_124, %parallel_loop3A_126 : i32
      %parallel_loop3A_128 = arith.index_cast %parallel_loop3A_127 : i32 to index
      %parallel_loop3A_129 = tpu.vector_load %arg5[%parallel_loop3A_128] {strides = array<i32>} : memref<65552xf32, #tpu.memory_space<vmem>>, vector<16xf32>,
      %parallel_loop3A_130 = arith.addf %parallel_loop3A_122, %parallel_loop3A_129 : vector<16xf32>
      %parallel_loop3A_131 = arith.constant 8194 : i32
      %parallel_loop3A_132 = arith.addi %parallel_loop3A_131, %shift_left3A_41 : i32
      %parallel_loop3A_133 = arith.constant 16 : i32
      %parallel_loop3A_134 = arith.muli %parallel_loop3A_117, %parallel_loop3A_133 : i32
      %parallel_loop3A_135 = arith.addi %parallel_loop3A_132, %parallel_loop3A_134 : i32
      %parallel_loop3A_136 = arith.index_cast %parallel_loop3A_135 : i32 to index
      %parallel_loop3A_137 = tpu.vector_load %arg5[%parallel_loop3A_136] {strides = array<i32>} : memref<65552xf32, #tpu.memory_space<vmem>>, vector<16xf32>,
      %parallel_loop3A_138 = arith.addf %parallel_loop3A_130, %parallel_loop3A_137 : vector<16xf32>
      %parallel_loop3A_139 = arith.constant 12291 : i32
      %parallel_loop3A_140 = arith.addi %parallel_loop3A_139, %shift_left3A_41 : i32
      %parallel_loop3A_141 = arith.constant 16 : i32
      %parallel_loop3A_142 = arith.muli %parallel_loop3A_117, %parallel_loop3A_141 : i32
      %parallel_loop3A_143 = arith.addi %parallel_loop3A_140, %parallel_loop3A_142 : i32
      %parallel_loop3A_144 = arith.index_cast %parallel_loop3A_143 : i32 to index
      %parallel_loop3A_145 = tpu.vector_load %arg5[%parallel_loop3A_144] {strides = array<i32>} : memref<65552xf32, #tpu.memory_space<vmem>>, vector<16xf32>,
      %parallel_loop3A_146 = arith.addf %parallel_loop3A_138, %parallel_loop3A_145 : vector<16xf32>
      %parallel_loop3A_147 = arith.constant 16388 : i32
      %parallel_loop3A_148 = arith.addi %parallel_loop3A_147, %shift_left3A_41 : i32
      %parallel_loop3A_149 = arith.constant 16 : i32
      %parallel_loop3A_150 = arith.muli %parallel_loop3A_117, %parallel_loop3A_149 : i32
      %parallel_loop3A_151 = arith.addi %parallel_loop3A_148, %parallel_loop3A_150 : i32
      %parallel_loop3A_152 = arith.index_cast %parallel_loop3A_151 : i32 to index
      %parallel_loop3A_153 = tpu.vector_load %arg5[%parallel_loop3A_152] {strides = array<i32>} : memref<65552xf32, #tpu.memory_space<vmem>>, vector<16xf32>,
      %parallel_loop3A_154 = arith.addf %parallel_loop3A_146, %parallel_loop3A_153 : vector<16xf32>
      %parallel_loop3A_155 = arith.constant 20485 : i32
      %parallel_loop3A_156 = arith.addi %parallel_loop3A_155, %shift_left3A_41 : i32
      %parallel_loop3A_157 = arith.constant 16 : i32
      %parallel_loop3A_158 = arith.muli %parallel_loop3A_117, %parallel_loop3A_157 : i32
      %parallel_loop3A_159 = arith.addi %parallel_loop3A_156, %parallel_loop3A_158 : i32
      %parallel_loop3A_160 = arith.index_cast %parallel_loop3A_159 : i32 to index
      %parallel_loop3A_161 = tpu.vector_load %arg5[%parallel_loop3A_160] {strides = array<i32>} : memref<65552xf32, #tpu.memory_space<vmem>>, vector<16xf32>,
      %parallel_loop3A_162 = arith.addf %parallel_loop3A_154, %parallel_loop3A_161 : vector<16xf32>
      %parallel_loop3A_163 = arith.constant 24582 : i32
      %parallel_loop3A_164 = arith.addi %parallel_loop3A_163, %shift_left3A_41 : i32
      %parallel_loop3A_165 = arith.constant 16 : i32
      %parallel_loop3A_166 = arith.muli %parallel_loop3A_117, %parallel_loop3A_165 : i32
      %parallel_loop3A_167 = arith.addi %parallel_loop3A_164, %parallel_loop3A_166 : i32
      %parallel_loop3A_168 = arith.index_cast %parallel_loop3A_167 : i32 to index
      %parallel_loop3A_169 = tpu.vector_load %arg5[%parallel_loop3A_168] {strides = array<i32>} : memref<65552xf32, #tpu.memory_space<vmem>>, vector<16xf32>,
      %parallel_loop3A_170 = arith.addf %parallel_loop3A_162, %parallel_loop3A_169 : vector<16xf32>
      %parallel_loop3A_171 = arith.constant 28679 : i32
      %parallel_loop3A_172 = arith.addi %parallel_loop3A_171, %shift_left3A_41 : i32
      %parallel_loop3A_173 = arith.constant 16 : i32
      %parallel_loop3A_174 = arith.muli %parallel_loop3A_117, %parallel_loop3A_173 : i32
      %parallel_loop3A_175 = arith.addi %parallel_loop3A_172, %parallel_loop3A_174 : i32
      %parallel_loop3A_176 = arith.index_cast %parallel_loop3A_175 : i32 to index
      %parallel_loop3A_177 = tpu.vector_load %arg5[%parallel_loop3A_176] {strides = array<i32>} : memref<65552xf32, #tpu.memory_space<vmem>>, vector<16xf32>,
      %parallel_loop3A_178 = arith.addf %parallel_loop3A_170, %parallel_loop3A_177 : vector<16xf32>
      %parallel_loop3A_179 = arith.constant 32776 : i32
      %parallel_loop3A_180 = arith.addi %parallel_loop3A_179, %shift_left3A_41 : i32
      %parallel_loop3A_181 = arith.constant 16 : i32
      %parallel_loop3A_182 = arith.muli %parallel_loop3A_117, %parallel_loop3A_181 : i32
      %parallel_loop3A_183 = arith.addi %parallel_loop3A_180, %parallel_loop3A_182 : i32
      %parallel_loop3A_184 = arith.index_cast %parallel_loop3A_183 : i32 to index
      %parallel_loop3A_185 = tpu.vector_load %arg5[%parallel_loop3A_184] {strides = array<i32>} : memref<65552xf32, #tpu.memory_space<vmem>>, vector<16xf32>,
      %parallel_loop3A_186 = arith.addf %parallel_loop3A_178, %parallel_loop3A_185 : vector<16xf32>
      %parallel_loop3A_187 = arith.constant 36873 : i32
      %parallel_loop3A_188 = arith.addi %parallel_loop3A_187, %shift_left3A_41 : i32
      %parallel_loop3A_189 = arith.constant 16 : i32
      %parallel_loop3A_190 = arith.muli %parallel_loop3A_117, %parallel_loop3A_189 : i32
      %parallel_loop3A_191 = arith.addi %parallel_loop3A_188, %parallel_loop3A_190 : i32
      %parallel_loop3A_192 = arith.index_cast %parallel_loop3A_191 : i32 to index
      %parallel_loop3A_193 = tpu.vector_load %arg5[%parallel_loop3A_192] {strides = array<i32>} : memref<65552xf32, #tpu.memory_space<vmem>>, vector<16xf32>,
      %parallel_loop3A_194 = arith.addf %parallel_loop3A_186, %parallel_loop3A_193 : vector<16xf32>
      %parallel_loop3A_195 = arith.constant 40970 : i32
      %parallel_loop3A_196 = arith.addi %parallel_loop3A_195, %shift_left3A_41 : i32
      %parallel_loop3A_197 = arith.constant 16 : i32
      %parallel_loop3A_198 = arith.muli %parallel_loop3A_117, %parallel_loop3A_197 : i32
      %parallel_loop3A_199 = arith.addi %parallel_loop3A_196, %parallel_loop3A_198 : i32
      %parallel_loop3A_200 = arith.index_cast %parallel_loop3A_199 : i32 to index
      %parallel_loop3A_201 = tpu.vector_load %arg5[%parallel_loop3A_200] {strides = array<i32>} : memref<65552xf32, #tpu.memory_space<vmem>>, vector<16xf32>,
      %parallel_loop3A_202 = arith.addf %parallel_loop3A_194, %parallel_loop3A_201 : vector<16xf32>
      %parallel_loop3A_203 = arith.constant 45067 : i32
      %parallel_loop3A_204 = arith.addi %parallel_loop3A_203, %shift_left3A_41 : i32
      %parallel_loop3A_205 = arith.constant 16 : i32
      %parallel_loop3A_206 = arith.muli %parallel_loop3A_117, %parallel_loop3A_205 : i32
      %parallel_loop3A_207 = arith.addi %parallel_loop3A_204, %parallel_loop3A_206 : i32
      %parallel_loop3A_208 = arith.index_cast %parallel_loop3A_207 : i32 to index
      %parallel_loop3A_209 = tpu.vector_load %arg5[%parallel_loop3A_208] {strides = array<i32>} : memref<65552xf32, #tpu.memory_space<vmem>>, vector<16xf32>,
      %parallel_loop3A_210 = arith.addf %parallel_loop3A_202, %parallel_loop3A_209 : vector<16xf32>
      %parallel_loop3A_211 = arith.constant 49164 : i32
      %parallel_loop3A_212 = arith.addi %parallel_loop3A_211, %shift_left3A_41 : i32
      %parallel_loop3A_213 = arith.constant 16 : i32
      %parallel_loop3A_214 = arith.muli %parallel_loop3A_117, %parallel_loop3A_213 : i32
      %parallel_loop3A_215 = arith.addi %parallel_loop3A_212, %parallel_loop3A_214 : i32
      %parallel_loop3A_216 = arith.index_cast %parallel_loop3A_215 : i32 to index
      %parallel_loop3A_217 = tpu.vector_load %arg5[%parallel_loop3A_216] {strides = array<i32>} : memref<65552xf32, #tpu.memory_space<vmem>>, vector<16xf32>,
      %parallel_loop3A_218 = arith.addf %parallel_loop3A_210, %parallel_loop3A_217 : vector<16xf32>
      %parallel_loop3A_219 = arith.constant 53261 : i32
      %parallel_loop3A_220 = arith.addi %parallel_loop3A_219, %shift_left3A_41 : i32
      %parallel_loop3A_221 = arith.constant 16 : i32
      %parallel_loop3A_222 = arith.muli %parallel_loop3A_117, %parallel_loop3A_221 : i32
      %parallel_loop3A_223 = arith.addi %parallel_loop3A_220, %parallel_loop3A_222 : i32
      %parallel_loop3A_224 = arith.index_cast %parallel_loop3A_223 : i32 to index
      %parallel_loop3A_225 = tpu.vector_load %arg5[%parallel_loop3A_224] {strides = array<i32>} : memref<65552xf32, #tpu.memory_space<vmem>>, vector<16xf32>,
      %parallel_loop3A_226 = arith.addf %parallel_loop3A_218, %parallel_loop3A_225 : vector<16xf32>
      %parallel_loop3A_227 = arith.constant 57358 : i32
      %parallel_loop3A_228 = arith.addi %parallel_loop3A_227, %shift_left3A_41 : i32
      %parallel_loop3A_229 = arith.constant 16 : i32
      %parallel_loop3A_230 = arith.muli %parallel_loop3A_117, %parallel_loop3A_229 : i32
      %parallel_loop3A_231 = arith.addi %parallel_loop3A_228, %parallel_loop3A_230 : i32
      %parallel_loop3A_232 = arith.index_cast %parallel_loop3A_231 : i32 to index
      %parallel_loop3A_233 = tpu.vector_load %arg5[%parallel_loop3A_232] {strides = array<i32>} : memref<65552xf32, #tpu.memory_space<vmem>>, vector<16xf32>,
      %parallel_loop3A_234 = arith.addf %parallel_loop3A_226, %parallel_loop3A_233 : vector<16xf32>
      %parallel_loop3A_235 = arith.constant 61455 : i32
      %parallel_loop3A_236 = arith.addi %parallel_loop3A_235, %shift_left3A_41 : i32
      %parallel_loop3A_237 = arith.constant 16 : i32
      %parallel_loop3A_238 = arith.muli %parallel_loop3A_117, %parallel_loop3A_237 : i32
      %parallel_loop3A_239 = arith.addi %parallel_loop3A_236, %parallel_loop3A_238 : i32
      %parallel_loop3A_240 = arith.index_cast %parallel_loop3A_239 : i32 to index
      %parallel_loop3A_241 = tpu.vector_load %arg5[%parallel_loop3A_240] {strides = array<i32>} : memref<65552xf32, #tpu.memory_space<vmem>>, vector<16xf32>,
      %parallel_loop3A_242 = arith.addf %parallel_loop3A_234, %parallel_loop3A_241 : vector<16xf32>
      %parallel_loop3A_243 = arith.constant 16 : i32
      %parallel_loop3A_244 = arith.muli %parallel_loop3A_117, %parallel_loop3A_243 : i32
      %parallel_loop3A_245 = arith.addi %shift_left3A_41, %parallel_loop3A_244 : i32
      %parallel_loop3A_246 = arith.index_cast %parallel_loop3A_245 : i32 to index
      %parallel_loop3A_247 = tpu.vector_load %arg6[%parallel_loop3A_246] {strides = array<i32>} : memref<4096xf32, #tpu.memory_space<vmem>>, vector<16xf32>,
      tpu.vector_store %arg6[%parallel_loop3A_246], %parallel_loop3A_242 {strides = array<i32>} : memref<4096xf32, #tpu.memory_space<vmem>>, vector<16xf32>,
    } {sc.loop_unroll_factor = 1 : i64, sc.parallel_access}
    "tpu.region"() ({
      %run_scoped3A = tpu.sem_alloc : memref<!tpu.dma_semaphore, #tpu.memory_space<semaphore_mem>>
      %dma_start3A_117 = arith.constant 0 : i32
      %dma_start3A_118 = tpu.memref_slice %arg4[%add3A, %dma_start3A_117] : memref<32x4096xf32, #tpu.memory_space<hbm>> -> memref<1x4096xf32, #tpu.memory_space<hbm>>
      %dma_start3A_119 = tpu.memref_squeeze %dma_start3A_118 : memref<1x4096xf32, #tpu.memory_space<hbm>> -> memref<4096xf32, #tpu.memory_space<hbm>>
      %dma_start3A_120 = arith.constant 0 : i32
      %dma_start3A_121 = tpu.memref_slice %arg4[%add3A, %dma_start3A_120] : memref<32x4096xf32, #tpu.memory_space<hbm>> -> memref<1x4096xf32, #tpu.memory_space<hbm>>
      %dma_start3A_122 = tpu.memref_squeeze %dma_start3A_121 : memref<1x4096xf32, #tpu.memory_space<hbm>> -> memref<4096xf32, #tpu.memory_space<hbm>>
      tpu.enqueue_dma source(%arg6 : memref<4096xf32, #tpu.memory_space<vmem>>) target(%dma_start3A_122 : memref<4096xf32, #tpu.memory_space<hbm>>) target_semaphore(%run_scoped3A : memref<!tpu.dma_semaphore, #tpu.memory_space<semaphore_mem>>)
      %dma_wait3A_123 = arith.constant 0 : i32
      %dma_wait3A_124 = tpu.memref_slice %arg4[%add3A, %dma_wait3A_123] : memref<32x4096xf32, #tpu.memory_space<hbm>> -> memref<1x4096xf32, #tpu.memory_space<hbm>>
      %dma_wait3A_125 = tpu.memref_squeeze %dma_wait3A_124 : memref<1x4096xf32, #tpu.memory_space<hbm>> -> memref<4096xf32, #tpu.memory_space<hbm>>
      %dma_wait3A_126 = arith.constant 0 : i32
      %dma_wait3A_127 = tpu.memref_slice %arg4[%add3A, %dma_wait3A_126] : memref<32x4096xf32, #tpu.memory_space<hbm>> -> memref<1x4096xf32, #tpu.memory_space<hbm>>
      %dma_wait3A_128 = tpu.memref_squeeze %dma_wait3A_127 : memref<1x4096xf32, #tpu.memory_space<hbm>> -> memref<4096xf32, #tpu.memory_space<hbm>>
      tpu.wait_dma2 semaphore(%run_scoped3A : memref<!tpu.dma_semaphore, #tpu.memory_space<semaphore_mem>>) src(%arg6 : memref<4096xf32, #tpu.memory_space<vmem>>) dst(%dma_wait3A_128 : memref<4096xf32, #tpu.memory_space<hbm>>)
      tpu.yield
    }) : () -> ()
    return
  }
}

module attributes {stable_mosaic.version = 14 : i64} {
  func.func @body(%arg0: memref<32x4096xf32, #tpu.memory_space<vmem>>, %arg1: memref<4096xf32, #tpu.memory_space<vmem>>) attributes {dimension_semantics = [], scalar_prefetch = 0 : i64, scratch_operands = 0 : i64, tpu.core_type = #tpu.core_type<tc>} {
    %get3A = arith.constant 0 : index
    %get3A_0 = arith.constant 0 : index
    %get3A_1 = vector.load %arg0[%get3A, %get3A_0] : memref<32x4096xf32, #tpu.memory_space<vmem>>, vector<32x4096xf32>
    %reduce_sum3A = arith.constant dense<0.000000e+00> : vector<4096xf32>
    %reduce_sum3A_2 = vector.multi_reduction <add>, %get3A_1, %reduce_sum3A [0] : vector<32x4096xf32> to vector<4096xf32>
    %swap3A = arith.constant 0 : index
    %swap3A_3 = vector.load %arg1[%swap3A] : memref<4096xf32, #tpu.memory_space<vmem>>, vector<4096xf32>
    tpu.vector_store %arg1[%swap3A], %reduce_sum3A_2 {strides = array<i32>} : memref<4096xf32, #tpu.memory_space<vmem>>, vector<4096xf32>,
    return
  }
}

</mosaic_0001>

<sc_bundles>
// kernel: kernel.4.cloned.1.call-start
scs
__scs_entry_jumppad:
0x0: {  	(pc) =	sbr.rel $0x88, $3  }
0x1: {  	(tag) =	ssettag $0x0;
	lr =	simm.s32 $0x1  }
0x2: {  	[smem:$0x3F9F] =	sst lr;
	_ =	strace $0xD0000000  }
0x3: {  	_ = 	snop  }
0x4: {  	_ = 	snop  }
0x5: {  	_ = 	snop  }
0x6: {  	_ = 	snop  }
0x7: {  	_ = 	snop  }
__scs_overlays_trampoline_lowered:
0x8: {  	[smem:$0x3FAE] =	sst s0  }
0x9: {  	[smem:$0x3FAF] =	sst s1  }
0xa: {  	[smem:$0x3FB0] =	sst s2  }
0xb: {  	[smem:$0x3FB1] =	sst s3  }
0xc: {  	[smem:$0x3FB2] =	sst s4  }
0xd: {  	[smem:$0x3FB3] =	sst s5  }
0xe: {  	[smem:$0x3FB4] =	sst s6  }
0xf: {  	[smem:$0x3FB5] =	sst s7  }
0x10: {  	[smem:$0x3FB6] =	sst s8  }
0x11: {  	[smem:$0x3FB7] =	sst s9;
	s0 =	simm.s32 @!p0 $0x0  }
0x12: {  	s1 =	sld [smem:$0x3F9D];
	s0 =	simm.s32 @p0 $0x1  }
0x13: {  	[smem:$0x3FB8] =	sst s0;
	s0 =	simm.s32 @!p1 $0x0  }
0x14: {  	s2 =	sld [smem:$0x3F9C];
	s0 =	simm.s32 @p1 $0x1  }
0x15: {  	[smem:$0x3FB9] =	sst s0;
	s0 =	simm.s32 @!p2 $0x0  }
0x16: {  	s3 =	sld [smem:$0x3FDB];
	s0 =	simm.s32 @p2 $0x1  }
0x17: {  	s4 =	simm.s32 $0x1BF5;
	[smem:$0x3FBB] =	sst s0  }
0x18: {  	s0 =	sld [smem:$0x3F9E];
	_ =	swait.ge [sflag:s4], $0x0  }
0x19: {  	s7 =	sld [smem:$0x3F9F]  }
0x1a: {  	s8 =	sadd.s32 $0xFFFFE003, lr  }
0x1b: {  	s9 =	sadd.s32 $0xFFFFFEF7, lr;
	s5 =	simm.s32 $0xFFFFFFFF;
	p2 =	slt.u32 s8, $0xFFFFF086  }
0x1c: {  	p1 =	slt.u32 s9, $0xF7A;
	s5 =	simm.s32 @!p2 $0x0  }
0x1d: {  	s5 =	simm.s32 @p1 $0x1;
	p0 =	seq.s32 s7, s2  }
0x1e: {  	s7 =	smul.u32 @!p0 $0xF7A, s2;
	p2 =	seq.s32 @!p0 s5, $0x0  }
0x1f: {  	s9 =	smul.u32 $0xF7A, s1;
	s8 =	simm.s32 @!p0 $0x1BF5;
	p2 =	por !p2, p0  }
0x20: {  	[sflag:s8] =	ssyncset.s32 @!p0 $0xFFFFF086;
	s6 =	sadd.s32 @!p0 s3, s7;
	s7 =	simm.s32 @!p0 $0x108  }
0x21: {  	s3 =	sadd.s32 s3, s9;
	s6 =	sadd.s32 @!p0 $0x88, s6;
	s7 =	simm.s32 @p2 $0x1082  }
0x22: {  	[simem:s7], [sflag:s8] =	dma.local @!p0 [hbm:s6], $0xF7A  }
0x23: {  	s9 =	sor.u32 $0xD0000000, s2;
	s6 =	simm.s32 $0x108;
	_ =	swait.ge @!p0 [sflag:s8], $0x0  }
0x24: {  	s3 =	sadd.s32 $0x88, s3;
	s6 =	simm.s32 @!p1 $0x1082;
	[sflag:s4] =	ssyncset.s32 $0xFFFFF086  }
0x25: {  	[simem:s6], [sflag:s4] =	dma.local [hbm:s3], $0xF7A  }
0x26: {  	[smem:$0x3F9F] =	sst s1;
	(tag) =	ssettag s2;
	_ =	strace s9  }
0x27: {  	s1 =	sld [smem:$0x3FAF]  }
0x28: {  	s2 =	sld [smem:$0x3FB0]  }
0x29: {  	s4 =	sld [smem:$0x3FB2]  }
0x2a: {  	p0 =	seq.s32 s5, $0x0;
	s5 =	sld [smem:$0x3FB3]  }
0x2b: {  	s6 =	sld [smem:$0x3FB4]  }
0x2c: {  	s7 =	sld [smem:$0x3FB5]  }
0x2d: {  	s3 =	simm.s32 $0x108;
	s8 =	sld [smem:$0x3FB6]  }
0x2e: {  	s3 =	simm.s32 @!p0 $0x1082;
	s9 =	sld [smem:$0x3FB7]  }
0x2f: {  	lr =	sadd.s32 s0, s3;
	s0 =	sld [smem:$0x3FAE]  }
0x30: {  	s3 =	sld [smem:$0x3FB1]  }
0x31: {  	[smem:$0x3FBA] =	sst s10  }
0x32: {  	s10 =	sld [smem:$0x3FB8];
	_ =	sdelay $0x3  }
0x33: {  	p0 =	seq.s32 s10, $0x1;
	s10 =	sld [smem:$0x3FBA];
	_ =	sdelay $0x3  }
0x34: {  	[smem:$0x3FBA] =	sst s10  }
0x35: {  	s10 =	sld [smem:$0x3FB9];
	_ =	sdelay $0x3  }
0x36: {  	p1 =	seq.s32 s10, $0x1;
	s10 =	sld [smem:$0x3FBA];
	_ =	sdelay $0x3  }
0x37: {  	[smem:$0x3FBA] =	sst s10  }
0x38: {  	s10 =	sld [smem:$0x3FBB]  }
0x39: {  	_ = 	snop;
	(pc) =	sbr.ind lr, $3  }
0x3a: {  	_ = 	snop  }
0x3b: {  	_ = 	snop  }
0x3c: {  	p2 =	seq.s32 s10, $0x1;
	s10 =	sld [smem:$0x3FBA]  }
0x3d: {  	_ =	shalt  }
0x3e: {  	_ =	shalt  }
0x3f: {  	_ =	shalt  }
0x40: {  	_ =	shalt  }
0x41: {  	_ =	shalt  }
0x42: {  	_ =	shalt  }
0x43: {  	_ =	shalt  }
0x44: {  	_ =	shalt  }
0x45: {  	_ =	shalt  }
0x46: {  	_ =	shalt  }
0x47: {  	_ =	shalt  }
0x48: {  	_ =	shalt  }
0x49: {  	_ =	shalt  }
0x4a: {  	_ =	shalt  }
0x4b: {  	_ =	shalt  }
0x4c: {  	_ =	shalt  }
0x4d: {  	_ =	shalt  }
0x4e: {  	_ =	shalt  }
0x4f: {  	_ =	shalt  }
0x50: {  	_ =	shalt  }
0x51: {  	_ =	shalt  }
0x52: {  	_ =	shalt  }
0x53: {  	_ =	shalt  }
0x54: {  	_ =	shalt  }
0x55: {  	_ =	shalt  }
0x56: {  	_ =	shalt  }
0x57: {  	_ =	shalt  }
0x58: {  	_ =	shalt  }
0x59: {  	_ =	shalt  }
0x5a: {  	_ =	shalt  }
0x5b: {  	_ =	shalt  }
0x5c: {  	_ =	shalt  }
0x5d: {  	_ =	shalt  }
0x5e: {  	_ =	shalt  }
0x5f: {  	_ =	shalt  }
0x60: {  	_ =	shalt  }
0x61: {  	_ =	shalt  }
0x62: {  	_ =	shalt  }
0x63: {  	_ =	shalt  }
0x64: {  	_ =	shalt  }
0x65: {  	_ =	shalt  }
0x66: {  	_ =	shalt  }
0x67: {  	_ =	shalt  }
0x68: {  	_ =	shalt  }
0x69: {  	_ =	shalt  }
0x6a: {  	_ =	shalt  }
0x6b: {  	_ =	shalt  }
0x6c: {  	_ =	shalt  }
0x6d: {  	_ =	shalt  }
0x6e: {  	_ =	shalt  }
0x6f: {  	_ =	shalt  }
0x70: {  	_ =	shalt  }
0x71: {  	_ =	shalt  }
0x72: {  	_ =	shalt  }
0x73: {  	_ =	shalt  }
0x74: {  	_ =	shalt  }
0x75: {  	_ =	shalt  }
0x76: {  	_ =	shalt  }
0x77: {  	_ =	shalt  }
0x78: {  	_ =	shalt  }
0x79: {  	_ =	shalt  }
0x7a: {  	_ =	shalt  }
0x7b: {  	_ =	shalt  }
0x7c: {  	_ =	shalt  }
0x7d: {  	_ =	shalt  }
0x7e: {  	_ =	shalt  }
0x7f: {  	_ =	shalt  }
0x80: {  	_ =	shalt  }
0x81: {  	_ =	shalt  }
0x82: {  	_ =	shalt  }
0x83: {  	_ =	shalt  }
0x84: {  	_ =	shalt  }
0x85: {  	_ =	shalt  }
0x86: {  	_ =	shalt  }
0x87: {  	_ =	shalt  }
.Lfunc_end0:
.L_simem_size_0:
called_computation_lowered:
.L_overlay_start_0:
0x88: {  	s2 =	sld [smem:$0x3FD9]  }
0x89: {  	s3 =	sld [smem:$0x3FFE];
	_ =	sdelay $0x1  }
0x8a: {  	s1 =	srdreg.scid  }
0x8b: {  	s0 =	sand.u32 $0x1, s1  }
0x8c: {  	s17 =	sshll.u32 s0, $0xA;
	s2 =	sadd.s32 s3, s2  }
0x8d: {  	s2 =	sadd.s32 s2, s17  }
0x8e: {  	[smem:$0x3FC6] =	sst s2  }
0x8f: {  	_ = 	snop  }
0x90: {  	s2 =	sld [smem:$0x3FC9]  }
0x91: {  	s18 =	sld [smem:$0x3FC8];
	(tm) =	ssettm $0x1  }
0x92: {  	s4 =	sld [smem:$0x3FFB];
	_ =	sdelay $0x3  }
0x93: {  	_ =	strace s4  }
0x94: {  	s4 =	sld [smem:$0x3FFC];
	_ =	sdelay $0x3  }
0x95: {  	_ =	strace s4  }
0x96: {  	s4 =	sld [smem:$0x3FFD];
	_ =	sdelay $0x3  }
0x97: {  	_ =	strace s4  }
0x98: {  	_ =	strace $0x8FFFFFFF  }
0x99: {  	s19 =	sld [smem:$0x3FDB];
	_ =	sdelay $0x1  }
0x9a: {  	s5 =	simm.s32 $_scs_section_size  }
0x9b: {  	s6 =	simm.s32 $_size__tile_overlayer_lowered;
	s7 =	simm.s32 $_tile_overlayer_lowered  }
0x9c: {  	s22 =	simm.s32 $0x1BFF;
	s21 =	sshll.u32 s7, $0x1;
	s4 =	sadd.s32 s5, s19  }
0x9d: {  	s8 =	simm.s32 $0x0;
	s20 =	sshll.u32 s6, $0x1;
	s6 =	sadd.s32 s21, s4  }
0x9e: {  	[timem:s8], [sflag:s22] =	dma.local [hbm:s6], s20  }
0x9f: {  	_ =	swait.ge [sflag:s22], s20  }
0xa0: {  	s5 =	ssub.s32 $0x0, s20;
	[sflag:s22] =	ssyncset.done $0x0  }
0xa1: {  	[sflag:s22] =	ssyncadd.s32 s5;
	_ =	sdelay $0x1  }
0xa2: {  	s23 =	simm.s32 $0x1B8B  }
0xa3: {  	_ =	swait.ge [sflag:s23], $0x1  }
0xa4: {  	[sflag:s23] =	ssyncset.done $0x0  }
0xa5: {  	s25 =	simm.s32 $0x1B8E;
	s24 =	sld [smem:$0x3FFE];
	[sflag:s23] =	ssyncadd.s32 $0xFFFFFFFF  }
0xa6: {  	s26 =	simm.s32 $execute0_lowered;
	[smem:$0x3FD2] =	sst s25  }
0xa7: {  	s6 =	sshll.u32 s26, $0x1;
	_ =	strace $0x80000046;
	[dreg:$0x1] =	wrdreg $0xFFFFFFFF  }
0xa8: {  	s28 =	simm.s32 $_size_execute0_lowered;
	s4 =	sadd.s32 s4, s6;
	[dreg:$0x0] =	wrdreg $0x0  }
0xa9: {  	s6 =	sshll.u32 s28, $0x1;
	[dreg:$0x2] =	wrdreg s4  }
0xaa: {  	[dreg:$0x3] =	wrdreg s6  }
0xab: {  	[dreg:$0x4] =	wrdreg $0xC0  }
0xac: {  	_ =	task [dreg:s8], $0x5FFFF  }
0xad: {  	[dreg:$0x1] =	wrdreg $0xFFFFFFFF  }
0xae: {  	[dreg:$0x0] =	wrdreg $0x60  }
0xaf: {  	[dreg:$0x2] =	wrdreg s2  }
0xb0: {  	[dreg:$0x3] =	wrdreg s18  }
0xb1: {  	[dreg:$0x4] =	wrdreg s24  }
0xb2: {  	[dreg:$0x5] =	wrdreg $0x9  }
0xb3: {  	_ =	task.clear_ibuf [dreg:s8], $0x6FFFF;
	_ =	strace $0x90000046  }
0xb4: {  	s29 =	simm.s32 $0x9;
	_ =	strace $0x80000048  }
0xb5: {  	_ =	swait.ge [sflag:s29], $0x1  }
0xb6: {  	[sflag:s29] =	ssyncadd.s32 $0xFFFFFFFF  }
0xb7: {  	_ =	strace $0x90000048  }
0xb8: {  	_ =	sfence  }
0xb9: {  	s30 =	sld [smem:$0x0];
	_ =	sdelay $0x2  }
0xba: {  	s31 =	sshll.u32 s1, $0xD;
	s1 =	sshrl.u32 s1, $0x2  }
0xbb: {  	s3 =	sand.u32 $0x4000, s31;
	s1 =	sadd.s32 s1, s30  }
0xbc: {  	s0 =	sor.u32 s3, s0;
	s1 =	sshll.u32 s1, $0x11  }
0xbd: {  	s0 =	sor.u32 s1, s0  }
0xbe: {  	s0 =	sadd.s32 $0x8F2B, s0  }
0xbf: {  	[sflag:s0] =	ssyncadd.remote.s32 $0x1  }
0xc0: {  	_ =	sfence.sel $0xFFFF  }
0xc1: {  	[dreg:$0x0] =	wrdreg $0xFFFFFFFF;
	(pc) =	sbr.abs _section_cstart, $3  }
0xc2: {  	[dreg:$0x1] =	wrdreg $0xFFFFFFFF  }
0xc3: {  	_ =	task.clear_ibuf [dreg:s8], $0x2FFFF;
	_ =	strace $0x9FFFFFFF  }
0xc4: {  	(tm) =	ssettm $0x7FFFFFFF  }
0xc5: {  	_ =	shalt  }
tec
execute0_lowered:
.L_overlay_start_1:
0x0: {  	(tag) =	ssettag $0x1  }
0x1: {  	s0 =	rddreg [dreg:$0x0]  }
0x2: {  	s13 =	rddreg [dreg:$0x1]  }
0x3: {  	s1 =	srdreg.scid;
	s3 =	rddreg [dreg:$0x2]  }
0x4: {  	s5 =	stileid.u32;
	s2 =	simm.s32 $0x0;
	s17 =	simm.s32 $0x15F80  }
0x5: {  	s19 =	simm.s32 $0x1;
	s20 =	simm.s32 $0x13800;
	s21 =	simm.s32 $0x18700  }
0x6: {  	s22 =	simm.s32 $0x2;
	s24 =	simm.s32 $0x400;
	s25 =	simm.s32 $0x10080  }
0x7: {  	s28 =	simm.s32 $0x0;
	s1 =	sand.u32 $0x1, s1;
	[smem:$0x7FF] =	sst s2  }
0x8: {  	s26 =	sshll.u32 s5, $0x4;
	s4 =	sshll.u32 s1, $0x4;
	_ =	strace $0x80000047  }
0x9: {  	s1 =	ssub.s32 $0x2, s1;
	s10 =	sor.u32 s5, s4;
	s4 =	sand.u32 $0x70, s26  }
0xa: {  	s30 =	sshrl.u32 s1, $0x1;
	s29 =	smul.u32 $0xC350, s10;
	s15 =	sshll.u32 s10, $0x9  }
0xb: {  	s26 =	simm.s32 $0x3;
	s14 =	sadd.s32 s4, s3;
	s15 =	sand.u32 $0x3000, s15  }
0xc: {  	s1 =	ssub.s32 s1, s30;
	s11 =	sshrl.u32 s29, $0x3;
	s31 =	sadd.s32 s15, s14  }
0xd: {  	s15 =	smax.u32 s1, $0x1;
	s3 =	sadd.s32 s0, s11;
	s4 =	sadd.s32 s13, s11  }
0xe: {  	s7 =	sadd.s32 $0x4E2, s11;
	s9 =	sadd.s32 $0x9C4, s11;
	s12 =	sadd.s32 $0xEA6, s11  }
0xf: {  	s16 =	sadd.s32 $0x1388, s11;
	s14 =	sadd.s32 $0x600, s31;
	s5 =	sadd.s32 $0x1868, s4  }
0x10: {  	s6 =	sadd.s32 s0, s7;
	s7 =	sadd.s32 s13, s7;
	s8 =	sadd.s32 s0, s9  }
0x11: {  	v1 =	vlaneseq.u32;
	s9 =	sadd.s32 s13, s9;
	s10 =	sadd.s32 s0, s12;
	s11 =	sadd.s32 s13, s12  }
0x12: {  	v0 =	vimm.f32 $0.0e+00;
	v1 =	vmul.u32 $0x1001, v1;
	s12 =	sadd.s32 s0, s16;
	s13 =	sadd.s32 s13, s16;
	s16 =	simm.s32 $0x11080  }
.LBB2_1:
0x13: {  	[tilespmem:s16], [sflag:$0x1] =	stream.linear.gather [hbm4b:s3+s2], $0x2710, $0x38;
	[tilespmem:$0x1AF00] =	vst v63  }
0x14: {  	_ = 	snop  }
0x15: {  	[tilespmem:s17], [sflag:$0x1] =	stream.linear.gather [hbm4b:s4+s2], $0x2710, $0x38;
	[tilespmem:$0x1AF00] =	vst v63  }
0x16: {  	s0 =	simm.s32 $0x1AE80  }
0x17: {  	[tilespmem:s0], [sflag:$0x1] =	stream.linear.gather [hbm4b:s5+s2], $0x10, $0x38;
	[tilespmem:$0x1AF00] =	vst v63  }
0x18: {  	s0 =	simm.s32 $0x100C0  }
0x19: {  	[tilespmem:s0+$0xFFFFFFC0] =	vst v0  }
0x1a: {  	[tilespmem:s0+$0x30] =	vst v0  }
0x1b: {  	[tilespmem:s0+$0x20] =	vst v0  }
0x1c: {  	[tilespmem:s0+$0x10] =	vst v0  }
0x1d: {  	[tilespmem:s0+$0x0] =	vst v0  }
0x1e: {  	[tilespmem:s0+$0xFFFFFFF0] =	vst v0  }
0x1f: {  	s1 =	simm.s32 $0x0;
	[tilespmem:s0+$0xFFFFFFE0] =	vst v0  }
.LBB2_2:
0x20: {  	s1 =	sadd.s32 $0x8, s1;
	[tilespmem:s0+$0xFFFFFFD0] =	vst v0;
	s0 =	sadd.s32 $0x80, s0  }
0x21: {  	[tilespmem:s0+$0xFFFFFFC0] =	vst v0;
	p0 =	slt.u32 s1, $0xF8  }
0x22: {  	[tilespmem:s0+$0x30] =	vst v0  }
.Ltmp0:
0x23: {  	[tilespmem:s0+$0x20] =	vst v0;
	(pc) =	sbr.rel @p0 .LBB2_2-.Ltmp0, $4  }
0x24: {  	[tilespmem:s0+$0x10] =	vst v0  }
0x25: {  	[tilespmem:s0+$0x0] =	vst v0  }
0x26: {  	[tilespmem:s0+$0xFFFFFFF0] =	vst v0  }
0x27: {  	[tilespmem:s0+$0xFFFFFFE0] =	vst v0  }
0x28: {  	[tilespmem:s0+$0xFFFFFFD0] =	vst v0  }
0x29: {  	_ =	swait.ge [sflag:s19], $0x10  }
0x2a: {  	[sflag:s19] =	ssyncset.done $0x0  }
0x2b: {  	[sflag:s19] =	ssyncadd.s32 $0xFFFFFFF0  }
0x2c: {  	_ =	swait.ge [sflag:s19], $0x2710  }
0x2d: {  	[sflag:s19] =	ssyncset.done $0x0  }
0x2e: {  	[sflag:s19] =	ssyncadd.s32 $0xFFFFD8F0  }
0x2f: {  	_ =	swait.ge [sflag:s19], $0x2710  }
0x30: {  	[sflag:s19] =	ssyncset.done $0x0  }
0x31: {  	[sflag:s19] =	ssyncadd.s32 $0xFFFFD8F0  }
0x32: {  	v2 =	vld [tilespmem:$0x15F80]  }
0x33: {  	v3 =	vld [tilespmem:$0x1AE80];
	_ =	sdelay $0x3  }
0x34: {  	v2 =	vxor.u32 $0x80000000, v2  }
0x35: {  	(xrf0) =	vmin.scan.msk.u32 $0xffff, v2;
	v2 =	vxor.u32 $0x80000000, v3  }
0x36: {  	(xrf0) =	vmax.scan.msk.u32 $0xffff, v2;
	_ =	sdelay $0x4  }
0x37: {  	v2, _, _ =	vpop (xrf0)  }
0x38: {  	(v2sf) =	vpush v2, $0xF;
	v2, _, _ =	vpop (xrf0)  }
0x39: {  	(v2sf) =	vpush v2, $0xF;
	_ =	sdelay $0xd  }
0x3a: {  	s30 =	spop (v2sf)  }
0x3b: {  	s31 =	spop (v2sf);
	s1 =	sand.u32 $0xFFFFFFF0, s30  }
0x3c: {  	s0 =	sxor.u32 $0x80000000, s31;
	s18 =	sxor.u32 $0x80000000, s1  }
0x3d: {  	s0 =	ssub.s32 s0, s18  }
0x3e: {  	s18 =	sshrl.u32 s0, $0x4;
	s0 =	sadd.s32 $0xF00F, s1  }
0x3f: {  	[tilespmem:s0+$0xFFFF0FF1] =	vst v0  }
0x40: {  	[tilespmem:s0+$0x0] =	vst v0  }
0x41: {  	[tilespmem:s0+$0xFFFFEFFF] =	vst v0  }
0x42: {  	[tilespmem:s0+$0xFFFFDFFE] =	vst v0  }
0x43: {  	[tilespmem:s0+$0xFFFFCFFD] =	vst v0  }
0x44: {  	[tilespmem:s0+$0xFFFFBFFC] =	vst v0  }
0x45: {  	[tilespmem:s0+$0xFFFFAFFB] =	vst v0  }
0x46: {  	[tilespmem:s0+$0xFFFF9FFA] =	vst v0  }
0x47: {  	s29 =	sadd.s32 $0x1, s18;
	[tilespmem:s0+$0xFFFF8FF9] =	vst v0  }
0x48: {  	[tilespmem:s0+$0xFFFF7FF8] =	vst v0;
	p0 =	seq.s32 s29, $0x1  }
.Ltmp1:
0x49: {  	[tilespmem:s0+$0xFFFF6FF7] =	vst v0;
	(pc) =	sbr.rel @p0 .LBB2_5-.Ltmp1, $4  }
0x4a: {  	[tilespmem:s0+$0xFFFF5FF6] =	vst v0  }
0x4b: {  	[tilespmem:s0+$0xFFFF4FF5] =	vst v0  }
0x4c: {  	[tilespmem:s0+$0xFFFF3FF4] =	vst v0  }
0x4d: {  	[tilespmem:s0+$0xFFFF2FF3] =	vst v0;
	s1 =	sadd.s32 $0xFFFFFFFF, s29  }
.LBB2_4:
0x4e: {  	p1 =	seq.s32 s1, $0x1;
	s1 =	sadd.s32 $0xFFFFFFFF, s1;
	[tilespmem:s0+$0xFFFF1FF2] =	vst v0;
	s0 =	sadd.s32 $0x10, s0  }
0x4f: {  	[tilespmem:s0+$0xFFFF0FF1] =	vst v0  }
0x50: {  	[tilespmem:s0+$0x0] =	vst v0  }
0x51: {  	[tilespmem:s0+$0xFFFFEFFF] =	vst v0  }
0x52: {  	[tilespmem:s0+$0xFFFFDFFE] =	vst v0  }
0x53: {  	[tilespmem:s0+$0xFFFFCFFD] =	vst v0  }
0x54: {  	[tilespmem:s0+$0xFFFFBFFC] =	vst v0  }
0x55: {  	[tilespmem:s0+$0xFFFFAFFB] =	vst v0  }
0x56: {  	[tilespmem:s0+$0xFFFF9FFA] =	vst v0  }
0x57: {  	[tilespmem:s0+$0xFFFF8FF9] =	vst v0  }
0x58: {  	[tilespmem:s0+$0xFFFF7FF8] =	vst v0  }
.Ltmp2:
0x59: {  	[tilespmem:s0+$0xFFFF6FF7] =	vst v0;
	(pc) =	sbr.rel @!p1 .LBB2_4-.Ltmp2, $4  }
0x5a: {  	[tilespmem:s0+$0xFFFF5FF6] =	vst v0  }
0x5b: {  	[tilespmem:s0+$0xFFFF4FF5] =	vst v0  }
0x5c: {  	[tilespmem:s0+$0xFFFF3FF4] =	vst v0  }
0x5d: {  	[tilespmem:s0+$0xFFFF2FF3] =	vst v0  }
.LBB2_5:
0x5e: {  	[tilespmem:s0+$0xFFFF1FF2] =	vst v0  }
0x5f: {  	[tilespmem:s20], [sflag:$0x2] =	stream.linear.gather [hbm4b:s6+s2], $0x2710, $0x38;
	[tilespmem:$0x1AF00] =	vst v63  }
0x60: {  	s31 =	simm.s32 $0xFFFFF830  }
0x61: {  	[tilespmem:s21], [sflag:$0x2] =	stream.linear.gather [hbm4b:s7+s2], $0x2710, $0x38;
	[tilespmem:$0x1AF00] =	vst v63  }
0x62: {  	v2 =	vld [tilespmem:s31+$0x16750];
	_ =	sdelay $0x4  }
0x63: {  	v3 =	vld [tilespmem:s31+$0x11850];
	v2 =	vadd.s32 v1, v2;
	_ =	sdelay $0x4  }
0x64: {  	[tilespmem:v2+s2+$0x0] =	vst.idx.add.f32.msk $0xffff, v3  }
0x65: {  	v2 =	vld [tilespmem:s31+$0x16F20];
	_ =	sdelay $0x2  }
0x66: {  	s0 =	simm.s32 $0xFFFFF840  }
0x67: {  	v3 =	vld [tilespmem:s0+$0x16750]  }
0x68: {  	v4 =	vld [tilespmem:s31+$0x12020];
	v2 =	vadd.s32 v1, v2;
	_ =	sdelay $0x3  }
0x69: {  	v5 =	vld [tilespmem:s0+$0x11850];
	v3 =	vadd.s32 v1, v3  }
0x6a: {  	[tilespmem:v2+s2+$0x0] =	vst.idx.add.f32.msk $0xffff, v4  }
0x6b: {  	v2 =	vld [tilespmem:s31+$0x176F0];
	_ =	sdelay $0x2  }
0x6c: {  	[tilespmem:v3+s2+$0x0] =	vst.idx.add.f32.msk $0xffff, v5  }
0x6d: {  	v3 =	vld [tilespmem:s0+$0x16F20]  }
0x6e: {  	v4 =	vld [tilespmem:s31+$0x127F0];
	v2 =	vadd.s32 v1, v2;
	_ =	sdelay $0x1  }
0x6f: {  	s1 =	simm.s32 $0xFFFFF850  }
0x70: {  	v5 =	vld [tilespmem:s1+$0x16750]  }
0x71: {  	v6 =	vld [tilespmem:s0+$0x12020];
	v3 =	vadd.s32 v1, v3  }
0x72: {  	[tilespmem:v2+s2+$0x0] =	vst.idx.add.f32.msk $0xffff, v4  }
0x73: {  	v2 =	vld [tilespmem:s31+$0x17EC0];
	_ =	sdelay $0x1  }
0x74: {  	v4 =	vadd.s32 v1, v5;
	v5 =	vld [tilespmem:s1+$0x11850]  }
0x75: {  	[tilespmem:v3+s2+$0x0] =	vst.idx.add.f32.msk $0xffff, v6  }
0x76: {  	v7 =	vld [tilespmem:s0+$0x176F0]  }
0x77: {  	v6 =	vld [tilespmem:s31+$0x12FC0];
	v2 =	vadd.s32 v1, v2;
	_ =	sdelay $0x1  }
0x78: {  	[tilespmem:v4+s2+$0x0] =	vst.idx.add.f32.msk $0xffff, v5  }
0x79: {  	v5 =	vld [tilespmem:s1+$0x16F20]  }
0x7a: {  	v3 =	vld [tilespmem:s0+$0x127F0];
	v4 =	vadd.s32 v1, v7  }
0x7b: {  	[tilespmem:v2+s2+$0x0] =	vst.idx.add.f32.msk $0xffff, v6  }
0x7c: {  	s18 =	simm.s32 $0xFFFFF860;
	s23 =	simm.s32 $0xFFFFE1C0;
	v2 =	vld [tilespmem:s31+$0x18690]  }
.LBB2_6:
0x7d: {  	p1 =	sne.s32 s23, $0xFFFFFFC0;
	v6 =	vld [tilespmem:s18+$0x16750]  }
0x7e: {  	v5 =	vadd.s32 v1, v5;
	v7 =	vld [tilespmem:s1+$0x12020]  }
0x7f: {  	[tilespmem:v4+s2+$0x0] =	vst.idx.add.f32.msk $0xffff, v3  }
0x80: {  	v3 =	vld [tilespmem:s0+$0x17EC0]  }
0x81: {  	v2 =	vadd.s32 v1, v2;
	v4 =	vld [tilespmem:s31+$0x13790];
	s31 =	smov.u32 s0;
	s0 =	smov.u32 s1;
	s1 =	smov.u32 s18  }
0x82: {  	v6 =	vadd.s32 v1, v6;
	v8 =	vld [tilespmem:s1+$0x11850]  }
0x83: {  	[tilespmem:v5+s2+$0x0] =	vst.idx.add.f32.msk $0xffff, v7  }
0x84: {  	v7 =	vld [tilespmem:s0+$0x176F0]  }
0x85: {  	v9 =	vadd.s32 v1, v3;
	v10 =	vld [tilespmem:s31+$0x12FC0]  }
0x86: {  	[tilespmem:v2+s2+$0x0] =	vst.idx.add.f32.msk $0xffff, v4  }
.Ltmp3:
0x87: {  	[tilespmem:v6+s2+$0x0] =	vst.idx.add.f32.msk $0xffff, v8;
	(pc) =	sbr.rel @p1 .LBB2_6-.Ltmp3, $4  }
0x88: {  	v5 =	vld [tilespmem:s1+$0x16F20]  }
0x89: {  	v4 =	vadd.s32 v1, v7;
	v3 =	vld [tilespmem:s0+$0x127F0]  }
0x8a: {  	[tilespmem:v9+s2+$0x0] =	vst.idx.add.f32.msk $0xffff, v10  }
0x8b: {  	s18 =	sshra.s32 s23, $0x2;
	s23 =	sadd.s32 $0x40, s23;
	v2 =	vld [tilespmem:s31+$0x18690]  }
0x8c: {  	v6 =	vld [tilespmem:s18+$0x16750];
	_ =	sdelay $0x4  }
0x8d: {  	v7 =	vld [tilespmem:s18+$0x11850];
	v6 =	vadd.s32 v1, v6;
	_ =	sdelay $0x4  }
0x8e: {  	[tilespmem:v6+s2+$0x0] =	vst.idx.add.f32.msk $0xffff, v7  }
0x8f: {  	v6 =	vld [tilespmem:s18+$0x16F20];
	_ =	sdelay $0x1  }
0x90: {  	v5 =	vadd.s32 v1, v5;
	v7 =	vld [tilespmem:s1+$0x12020];
	_ =	sdelay $0x2  }
0x91: {  	v8 =	vld [tilespmem:s18+$0x12020];
	v6 =	vadd.s32 v1, v6;
	_ =	sdelay $0x1  }
0x92: {  	[tilespmem:v5+s2+$0x0] =	vst.idx.add.f32.msk $0xffff, v7  }
0x93: {  	v5 =	vld [tilespmem:s1+$0x176F0];
	_ =	sdelay $0x1  }
0x94: {  	[tilespmem:v6+s2+$0x0] =	vst.idx.add.f32.msk $0xffff, v8  }
0x95: {  	v6 =	vld [tilespmem:s18+$0x176F0];
	_ =	sdelay $0x1  }
0x96: {  	v7 =	vld [tilespmem:s1+$0x127F0];
	v5 =	vadd.s32 v1, v5;
	_ =	sdelay $0x1  }
0x97: {  	[tilespmem:v4+s2+$0x0] =	vst.idx.add.f32.msk $0xffff, v3  }
0x98: {  	v8 =	vld [tilespmem:s18+$0x127F0];
	v6 =	vadd.s32 v1, v6  }
0x99: {  	v3 =	vld [tilespmem:s0+$0x17EC0]  }
0x9a: {  	[tilespmem:v5+s2+$0x0] =	vst.idx.add.f32.msk $0xffff, v7  }
0x9b: {  	v4 =	vld [tilespmem:s1+$0x17EC0];
	_ =	sdelay $0x1  }
0x9c: {  	[tilespmem:v6+s2+$0x0] =	vst.idx.add.f32.msk $0xffff, v8  }
0x9d: {  	v5 =	vld [tilespmem:s18+$0x17EC0]  }
0x9e: {  	v3 =	vadd.s32 v1, v3;
	v6 =	vld [tilespmem:s0+$0x12FC0]  }
0x9f: {  	v7 =	vld [tilespmem:s1+$0x12FC0];
	v4 =	vadd.s32 v1, v4;
	_ =	sdelay $0x2  }
0xa0: {  	v8 =	vld [tilespmem:s18+$0x12FC0];
	v5 =	vadd.s32 v1, v5  }
0xa1: {  	[tilespmem:v3+s2+$0x0] =	vst.idx.add.f32.msk $0xffff, v6  }
0xa2: {  	[tilespmem:v4+s2+$0x0] =	vst.idx.add.f32.msk $0xffff, v7  }
0xa3: {  	v3 =	vld [tilespmem:s0+$0x18690]  }
0xa4: {  	v4 =	vld [tilespmem:s1+$0x18690]  }
0xa5: {  	[tilespmem:v5+s2+$0x0] =	vst.idx.add.f32.msk $0xffff, v8  }
0xa6: {  	v5 =	vld [tilespmem:s18+$0x18690];
	_ =	sdelay $0x1  }
0xa7: {  	v2 =	vadd.s32 v1, v2;
	v6 =	vld [tilespmem:s31+$0x13790]  }
0xa8: {  	v7 =	vld [tilespmem:s0+$0x13790];
	v3 =	vadd.s32 v1, v3  }
0xa9: {  	v63 =	vld [tilespmem:s1+$0x13790];
	v4 =	vadd.s32 v1, v4  }
0xaa: {  	v9 =	vld [tilespmem:s18+$0x13790];
	v5 =	vadd.s32 v1, v5;
	_ =	sdelay $0x1  }
0xab: {  	[tilespmem:v2+s2+$0x0] =	vst.idx.add.f32.msk $0xffff, v6  }
0xac: {  	[tilespmem:v3+s2+$0x0] =	vst.idx.add.f32.msk $0xffff, v7  }
0xad: {  	[tilespmem:v4+s2+$0x0] =	vst.idx.add.f32.msk $0xffff, v63  }
0xae: {  	[tilespmem:v5+s2+$0x0] =	vst.idx.add.f32.msk $0xffff, v9  }
0xaf: {  	_ =	swait.ge [sflag:s22], $0x2710  }
0xb0: {  	[sflag:s22] =	ssyncset.done $0x0  }
0xb1: {  	[sflag:s22] =	ssyncadd.s32 $0xFFFFD8F0  }
0xb2: {  	_ =	swait.ge [sflag:s22], $0x2710  }
0xb3: {  	[sflag:s22] =	ssyncset.done $0x0  }
0xb4: {  	[sflag:s22] =	ssyncadd.s32 $0xFFFFD8F0  }
0xb5: {  	[tilespmem:s16], [sflag:$0x1] =	stream.linear.gather [hbm4b:s8+s2], $0x2710, $0x38;
	[tilespmem:$0x1AF00] =	vst v63  }
0xb6: {  	s31 =	simm.s32 $0xFFFFF830  }
0xb7: {  	[tilespmem:s17], [sflag:$0x1] =	stream.linear.gather [hbm4b:s9+s2], $0x2710, $0x38;
	[tilespmem:$0x1AF00] =	vst v63  }
0xb8: {  	v2 =	vld [tilespmem:s31+$0x18ED0];
	_ =	sdelay $0x4  }
0xb9: {  	v3 =	vld [tilespmem:s31+$0x13FD0];
	v2 =	vadd.s32 v1, v2;
	_ =	sdelay $0x4  }
0xba: {  	[tilespmem:v2+s2+$0x0] =	vst.idx.add.f32.msk $0xffff, v3  }
0xbb: {  	v2 =	vld [tilespmem:s31+$0x196A0];
	_ =	sdelay $0x2  }
0xbc: {  	s0 =	simm.s32 $0xFFFFF840  }
0xbd: {  	v3 =	vld [tilespmem:s0+$0x18ED0]  }
0xbe: {  	v4 =	vld [tilespmem:s31+$0x147A0];
	v2 =	vadd.s32 v1, v2;
	_ =	sdelay $0x3  }
0xbf: {  	v5 =	vld [tilespmem:s0+$0x13FD0];
	v3 =	vadd.s32 v1, v3  }
0xc0: {  	[tilespmem:v2+s2+$0x0] =	vst.idx.add.f32.msk $0xffff, v4  }
0xc1: {  	v2 =	vld [tilespmem:s31+$0x19E70];
	_ =	sdelay $0x2  }
0xc2: {  	[tilespmem:v3+s2+$0x0] =	vst.idx.add.f32.msk $0xffff, v5  }
0xc3: {  	v3 =	vld [tilespmem:s0+$0x196A0]  }
0xc4: {  	v4 =	vld [tilespmem:s31+$0x14F70];
	v2 =	vadd.s32 v1, v2;
	_ =	sdelay $0x1  }
0xc5: {  	s1 =	simm.s32 $0xFFFFF850  }
0xc6: {  	v5 =	vld [tilespmem:s1+$0x18ED0]  }
0xc7: {  	v6 =	vld [tilespmem:s0+$0x147A0];
	v3 =	vadd.s32 v1, v3  }
0xc8: {  	[tilespmem:v2+s2+$0x0] =	vst.idx.add.f32.msk $0xffff, v4  }
0xc9: {  	v2 =	vld [tilespmem:s31+$0x1A640];
	_ =	sdelay $0x1  }
0xca: {  	v4 =	vadd.s32 v1, v5;
	v5 =	vld [tilespmem:s1+$0x13FD0]  }
0xcb: {  	[tilespmem:v3+s2+$0x0] =	vst.idx.add.f32.msk $0xffff, v6  }
0xcc: {  	v7 =	vld [tilespmem:s0+$0x19E70]  }
0xcd: {  	v6 =	vld [tilespmem:s31+$0x15740];
	v2 =	vadd.s32 v1, v2;
	_ =	sdelay $0x1  }
0xce: {  	[tilespmem:v4+s2+$0x0] =	vst.idx.add.f32.msk $0xffff, v5  }
0xcf: {  	v5 =	vld [tilespmem:s1+$0x196A0]  }
0xd0: {  	v3 =	vld [tilespmem:s0+$0x14F70];
	v4 =	vadd.s32 v1, v7  }
0xd1: {  	[tilespmem:v2+s2+$0x0] =	vst.idx.add.f32.msk $0xffff, v6  }
0xd2: {  	s23 =	simm.s32 $0xFFFFE1C0;
	s18 =	simm.s32 $0xFFFFF860;
	v2 =	vld [tilespmem:s31+$0x1AE10]  }
.LBB2_8:
0xd3: {  	p1 =	sne.s32 s23, $0xFFFFFFC0;
	v6 =	vld [tilespmem:s18+$0x18ED0]  }
0xd4: {  	v5 =	vadd.s32 v1, v5;
	v7 =	vld [tilespmem:s1+$0x147A0]  }
0xd5: {  	[tilespmem:v4+s2+$0x0] =	vst.idx.add.f32.msk $0xffff, v3  }
0xd6: {  	v3 =	vld [tilespmem:s0+$0x1A640]  }
0xd7: {  	v2 =	vadd.s32 v1, v2;
	v4 =	vld [tilespmem:s31+$0x15F10];
	s31 =	smov.u32 s0;
	s0 =	smov.u32 s1;
	s1 =	smov.u32 s18  }
0xd8: {  	v6 =	vadd.s32 v1, v6;
	v8 =	vld [tilespmem:s1+$0x13FD0]  }
0xd9: {  	[tilespmem:v5+s2+$0x0] =	vst.idx.add.f32.msk $0xffff, v7  }
0xda: {  	v7 =	vld [tilespmem:s0+$0x19E70]  }
0xdb: {  	v9 =	vadd.s32 v1, v3;
	v10 =	vld [tilespmem:s31+$0x15740]  }
0xdc: {  	[tilespmem:v2+s2+$0x0] =	vst.idx.add.f32.msk $0xffff, v4  }
.Ltmp4:
0xdd: {  	[tilespmem:v6+s2+$0x0] =	vst.idx.add.f32.msk $0xffff, v8;
	(pc) =	sbr.rel @p1 .LBB2_8-.Ltmp4, $4  }
0xde: {  	v5 =	vld [tilespmem:s1+$0x196A0]  }
0xdf: {  	v4 =	vadd.s32 v1, v7;
	v3 =	vld [tilespmem:s0+$0x14F70]  }
0xe0: {  	[tilespmem:v9+s2+$0x0] =	vst.idx.add.f32.msk $0xffff, v10  }
0xe1: {  	s18 =	sshra.s32 s23, $0x2;
	s23 =	sadd.s32 $0x40, s23;
	v2 =	vld [tilespmem:s31+$0x1AE10]  }
0xe2: {  	v6 =	vld [tilespmem:s18+$0x18ED0];
	_ =	sdelay $0x4  }
0xe3: {  	v7 =	vld [tilespmem:s18+$0x13FD0];
	v6 =	vadd.s32 v1, v6;
	_ =	sdelay $0x4  }
0xe4: {  	[tilespmem:v6+s2+$0x0] =	vst.idx.add.f32.msk $0xffff, v7  }
0xe5: {  	v6 =	vld [tilespmem:s18+$0x196A0];
	_ =	sdelay $0x1  }
0xe6: {  	v5 =	vadd.s32 v1, v5;
	v7 =	vld [tilespmem:s1+$0x147A0];
	_ =	sdelay $0x2  }
0xe7: {  	v8 =	vld [tilespmem:s18+$0x147A0];
	v6 =	vadd.s32 v1, v6;
	_ =	sdelay $0x1  }
0xe8: {  	[tilespmem:v5+s2+$0x0] =	vst.idx.add.f32.msk $0xffff, v7  }
0xe9: {  	v5 =	vld [tilespmem:s1+$0x19E70];
	_ =	sdelay $0x1  }
0xea: {  	[tilespmem:v6+s2+$0x0] =	vst.idx.add.f32.msk $0xffff, v8  }
0xeb: {  	v6 =	vld [tilespmem:s18+$0x19E70];
	_ =	sdelay $0x1  }
0xec: {  	v7 =	vld [tilespmem:s1+$0x14F70];
	v5 =	vadd.s32 v1, v5;
	_ =	sdelay $0x1  }
0xed: {  	[tilespmem:v4+s2+$0x0] =	vst.idx.add.f32.msk $0xffff, v3  }
0xee: {  	v8 =	vld [tilespmem:s18+$0x14F70];
	v6 =	vadd.s32 v1, v6  }
0xef: {  	v3 =	vld [tilespmem:s0+$0x1A640]  }
0xf0: {  	[tilespmem:v5+s2+$0x0] =	vst.idx.add.f32.msk $0xffff, v7  }
0xf1: {  	v4 =	vld [tilespmem:s1+$0x1A640];
	_ =	sdelay $0x1  }
0xf2: {  	[tilespmem:v6+s2+$0x0] =	vst.idx.add.f32.msk $0xffff, v8  }
0xf3: {  	v5 =	vld [tilespmem:s18+$0x1A640]  }
0xf4: {  	v3 =	vadd.s32 v1, v3;
	v6 =	vld [tilespmem:s0+$0x15740]  }
0xf5: {  	v7 =	vld [tilespmem:s1+$0x15740];
	v4 =	vadd.s32 v1, v4;
	_ =	sdelay $0x2  }
0xf6: {  	v8 =	vld [tilespmem:s18+$0x15740];
	v5 =	vadd.s32 v1, v5  }
0xf7: {  	[tilespmem:v3+s2+$0x0] =	vst.idx.add.f32.msk $0xffff, v6  }
0xf8: {  	[tilespmem:v4+s2+$0x0] =	vst.idx.add.f32.msk $0xffff, v7  }
0xf9: {  	v3 =	vld [tilespmem:s0+$0x1AE10]  }
0xfa: {  	v4 =	vld [tilespmem:s1+$0x1AE10]  }
0xfb: {  	[tilespmem:v5+s2+$0x0] =	vst.idx.add.f32.msk $0xffff, v8  }
0xfc: {  	v5 =	vld [tilespmem:s18+$0x1AE10];
	_ =	sdelay $0x1  }
0xfd: {  	v2 =	vadd.s32 v1, v2;
	v6 =	vld [tilespmem:s31+$0x15F10]  }
0xfe: {  	v7 =	vld [tilespmem:s0+$0x15F10];
	v3 =	vadd.s32 v1, v3  }
0xff: {  	v63 =	vld [tilespmem:s1+$0x15F10];
	v4 =	vadd.s32 v1, v4  }
0x100: {  	v9 =	vld [tilespmem:s18+$0x15F10];
	v5 =	vadd.s32 v1, v5;
	_ =	sdelay $0x1  }
0x101: {  	[tilespmem:v2+s2+$0x0] =	vst.idx.add.f32.msk $0xffff, v6  }
0x102: {  	[tilespmem:v3+s2+$0x0] =	vst.idx.add.f32.msk $0xffff, v7  }
0x103: {  	[tilespmem:v4+s2+$0x0] =	vst.idx.add.f32.msk $0xffff, v63  }
0x104: {  	[tilespmem:v5+s2+$0x0] =	vst.idx.add.f32.msk $0xffff, v9  }
0x105: {  	_ =	swait.ge [sflag:s19], $0x2710  }
0x106: {  	[sflag:s19] =	ssyncset.done $0x0  }
0x107: {  	[sflag:s19] =	ssyncadd.s32 $0xFFFFD8F0  }
0x108: {  	_ =	swait.ge [sflag:s19], $0x2710  }
0x109: {  	[sflag:s19] =	ssyncset.done $0x0  }
0x10a: {  	[sflag:s19] =	ssyncadd.s32 $0xFFFFD8F0  }
0x10b: {  	[tilespmem:s20], [sflag:$0x2] =	stream.linear.gather [hbm4b:s10+s2], $0x2710, $0x38;
	[tilespmem:$0x1AF00] =	vst v63  }
0x10c: {  	s31 =	simm.s32 $0xFFFFF830  }
0x10d: {  	[tilespmem:s21], [sflag:$0x2] =	stream.linear.gather [hbm4b:s11+s2], $0x2710, $0x38;
	[tilespmem:$0x1AF00] =	vst v63  }
0x10e: {  	v2 =	vld [tilespmem:s31+$0x16750];
	_ =	sdelay $0x4  }
0x10f: {  	v3 =	vld [tilespmem:s31+$0x11850];
	v2 =	vadd.s32 v1, v2;
	_ =	sdelay $0x4  }
0x110: {  	[tilespmem:v2+s2+$0x0] =	vst.idx.add.f32.msk $0xffff, v3  }
0x111: {  	v2 =	vld [tilespmem:s31+$0x16F20];
	_ =	sdelay $0x2  }
0x112: {  	s0 =	simm.s32 $0xFFFFF840  }
0x113: {  	v3 =	vld [tilespmem:s0+$0x16750]  }
0x114: {  	v4 =	vld [tilespmem:s31+$0x12020];
	v2 =	vadd.s32 v1, v2;
	_ =	sdelay $0x3  }
0x115: {  	v5 =	vld [tilespmem:s0+$0x11850];
	v3 =	vadd.s32 v1, v3  }
0x116: {  	[tilespmem:v2+s2+$0x0] =	vst.idx.add.f32.msk $0xffff, v4  }
0x117: {  	v2 =	vld [tilespmem:s31+$0x176F0];
	_ =	sdelay $0x2  }
0x118: {  	[tilespmem:v3+s2+$0x0] =	vst.idx.add.f32.msk $0xffff, v5  }
0x119: {  	v3 =	vld [tilespmem:s0+$0x16F20]  }
0x11a: {  	v4 =	vld [tilespmem:s31+$0x127F0];
	v2 =	vadd.s32 v1, v2;
	_ =	sdelay $0x1  }
0x11b: {  	s1 =	simm.s32 $0xFFFFF850  }
0x11c: {  	v5 =	vld [tilespmem:s1+$0x16750]  }
0x11d: {  	v6 =	vld [tilespmem:s0+$0x12020];
	v3 =	vadd.s32 v1, v3  }
0x11e: {  	[tilespmem:v2+s2+$0x0] =	vst.idx.add.f32.msk $0xffff, v4  }
0x11f: {  	v2 =	vld [tilespmem:s31+$0x17EC0];
	_ =	sdelay $0x1  }
0x120: {  	v4 =	vadd.s32 v1, v5;
	v5 =	vld [tilespmem:s1+$0x11850]  }
0x121: {  	[tilespmem:v3+s2+$0x0] =	vst.idx.add.f32.msk $0xffff, v6  }
0x122: {  	v7 =	vld [tilespmem:s0+$0x176F0]  }
0x123: {  	v6 =	vld [tilespmem:s31+$0x12FC0];
	v2 =	vadd.s32 v1, v2;
	_ =	sdelay $0x1  }
0x124: {  	[tilespmem:v4+s2+$0x0] =	vst.idx.add.f32.msk $0xffff, v5  }
0x125: {  	v5 =	vld [tilespmem:s1+$0x16F20]  }
0x126: {  	v3 =	vld [tilespmem:s0+$0x127F0];
	v4 =	vadd.s32 v1, v7  }
0x127: {  	[tilespmem:v2+s2+$0x0] =	vst.idx.add.f32.msk $0xffff, v6  }
0x128: {  	s23 =	simm.s32 $0xFFFFE1C0;
	s18 =	simm.s32 $0xFFFFF860;
	v2 =	vld [tilespmem:s31+$0x18690]  }
.LBB2_10:
0x129: {  	p1 =	sne.s32 s23, $0xFFFFFFC0;
	v6 =	vld [tilespmem:s18+$0x16750]  }
0x12a: {  	v5 =	vadd.s32 v1, v5;
	v7 =	vld [tilespmem:s1+$0x12020]  }
0x12b: {  	[tilespmem:v4+s2+$0x0] =	vst.idx.add.f32.msk $0xffff, v3  }
0x12c: {  	v3 =	vld [tilespmem:s0+$0x17EC0]  }
0x12d: {  	v2 =	vadd.s32 v1, v2;
	v4 =	vld [tilespmem:s31+$0x13790];
	s31 =	smov.u32 s0;
	s0 =	smov.u32 s1;
	s1 =	smov.u32 s18  }
0x12e: {  	v6 =	vadd.s32 v1, v6;
	v8 =	vld [tilespmem:s1+$0x11850]  }
0x12f: {  	[tilespmem:v5+s2+$0x0] =	vst.idx.add.f32.msk $0xffff, v7  }
0x130: {  	v7 =	vld [tilespmem:s0+$0x176F0]  }
0x131: {  	v9 =	vadd.s32 v1, v3;
	v10 =	vld [tilespmem:s31+$0x12FC0]  }
0x132: {  	[tilespmem:v2+s2+$0x0] =	vst.idx.add.f32.msk $0xffff, v4  }
.Ltmp5:
0x133: {  	[tilespmem:v6+s2+$0x0] =	vst.idx.add.f32.msk $0xffff, v8;
	(pc) =	sbr.rel @p1 .LBB2_10-.Ltmp5, $4  }
0x134: {  	v5 =	vld [tilespmem:s1+$0x16F20]  }
0x135: {  	v4 =	vadd.s32 v1, v7;
	v3 =	vld [tilespmem:s0+$0x127F0]  }
0x136: {  	[tilespmem:v9+s2+$0x0] =	vst.idx.add.f32.msk $0xffff, v10  }
0x137: {  	s18 =	sshra.s32 s23, $0x2;
	s23 =	sadd.s32 $0x40, s23;
	v2 =	vld [tilespmem:s31+$0x18690]  }
0x138: {  	v6 =	vld [tilespmem:s18+$0x16750];
	_ =	sdelay $0x4  }
0x139: {  	v7 =	vld [tilespmem:s18+$0x11850];
	v6 =	vadd.s32 v1, v6;
	_ =	sdelay $0x4  }
0x13a: {  	[tilespmem:v6+s2+$0x0] =	vst.idx.add.f32.msk $0xffff, v7  }
0x13b: {  	v6 =	vld [tilespmem:s18+$0x16F20];
	_ =	sdelay $0x1  }
0x13c: {  	v5 =	vadd.s32 v1, v5;
	v7 =	vld [tilespmem:s1+$0x12020];
	_ =	sdelay $0x2  }
0x13d: {  	v8 =	vld [tilespmem:s18+$0x12020];
	v6 =	vadd.s32 v1, v6;
	_ =	sdelay $0x1  }
0x13e: {  	[tilespmem:v5+s2+$0x0] =	vst.idx.add.f32.msk $0xffff, v7  }
0x13f: {  	v5 =	vld [tilespmem:s1+$0x176F0];
	_ =	sdelay $0x1  }
0x140: {  	[tilespmem:v6+s2+$0x0] =	vst.idx.add.f32.msk $0xffff, v8  }
0x141: {  	v6 =	vld [tilespmem:s18+$0x176F0];
	_ =	sdelay $0x1  }
0x142: {  	v7 =	vld [tilespmem:s1+$0x127F0];
	v5 =	vadd.s32 v1, v5;
	_ =	sdelay $0x1  }
0x143: {  	[tilespmem:v4+s2+$0x0] =	vst.idx.add.f32.msk $0xffff, v3  }
0x144: {  	v8 =	vld [tilespmem:s18+$0x127F0];
	v6 =	vadd.s32 v1, v6  }
0x145: {  	v3 =	vld [tilespmem:s0+$0x17EC0]  }
0x146: {  	[tilespmem:v5+s2+$0x0] =	vst.idx.add.f32.msk $0xffff, v7  }
0x147: {  	v4 =	vld [tilespmem:s1+$0x17EC0];
	_ =	sdelay $0x1  }
0x148: {  	[tilespmem:v6+s2+$0x0] =	vst.idx.add.f32.msk $0xffff, v8  }
0x149: {  	v5 =	vld [tilespmem:s18+$0x17EC0]  }
0x14a: {  	v3 =	vadd.s32 v1, v3;
	v6 =	vld [tilespmem:s0+$0x12FC0]  }
0x14b: {  	v7 =	vld [tilespmem:s1+$0x12FC0];
	v4 =	vadd.s32 v1, v4;
	_ =	sdelay $0x2  }
0x14c: {  	v8 =	vld [tilespmem:s18+$0x12FC0];
	v5 =	vadd.s32 v1, v5  }
0x14d: {  	[tilespmem:v3+s2+$0x0] =	vst.idx.add.f32.msk $0xffff, v6  }
0x14e: {  	[tilespmem:v4+s2+$0x0] =	vst.idx.add.f32.msk $0xffff, v7  }
0x14f: {  	v3 =	vld [tilespmem:s0+$0x18690]  }
0x150: {  	v4 =	vld [tilespmem:s1+$0x18690]  }
0x151: {  	[tilespmem:v5+s2+$0x0] =	vst.idx.add.f32.msk $0xffff, v8  }
0x152: {  	v5 =	vld [tilespmem:s18+$0x18690];
	_ =	sdelay $0x1  }
0x153: {  	v2 =	vadd.s32 v1, v2;
	v6 =	vld [tilespmem:s31+$0x13790]  }
0x154: {  	v7 =	vld [tilespmem:s0+$0x13790];
	v3 =	vadd.s32 v1, v3  }
0x155: {  	v63 =	vld [tilespmem:s1+$0x13790];
	v4 =	vadd.s32 v1, v4  }
0x156: {  	v9 =	vld [tilespmem:s18+$0x13790];
	v5 =	vadd.s32 v1, v5;
	_ =	sdelay $0x1  }
0x157: {  	[tilespmem:v2+s2+$0x0] =	vst.idx.add.f32.msk $0xffff, v6  }
0x158: {  	[tilespmem:v3+s2+$0x0] =	vst.idx.add.f32.msk $0xffff, v7  }
0x159: {  	[tilespmem:v4+s2+$0x0] =	vst.idx.add.f32.msk $0xffff, v63  }
0x15a: {  	[tilespmem:v5+s2+$0x0] =	vst.idx.add.f32.msk $0xffff, v9  }
0x15b: {  	_ =	swait.ge [sflag:s22], $0x2710  }
0x15c: {  	[sflag:s22] =	ssyncset.done $0x0  }
0x15d: {  	[sflag:s22] =	ssyncadd.s32 $0xFFFFD8F0  }
0x15e: {  	_ =	swait.ge [sflag:s22], $0x2710  }
0x15f: {  	[sflag:s22] =	ssyncset.done $0x0  }
0x160: {  	[sflag:s22] =	ssyncadd.s32 $0xFFFFD8F0  }
0x161: {  	[tilespmem:s16], [sflag:$0x1] =	stream.linear.gather [hbm4b:s12+s2], $0x2710, $0x38;
	[tilespmem:$0x1AF00] =	vst v63  }
0x162: {  	s31 =	simm.s32 $0xFFFFF830  }
0x163: {  	[tilespmem:s17], [sflag:$0x1] =	stream.linear.gather [hbm4b:s13+s2], $0x2710, $0x38;
	[tilespmem:$0x1AF00] =	vst v63  }
0x164: {  	v2 =	vld [tilespmem:s31+$0x18ED0];
	_ =	sdelay $0x4  }
0x165: {  	v3 =	vld [tilespmem:s31+$0x13FD0];
	v2 =	vadd.s32 v1, v2;
	_ =	sdelay $0x4  }
0x166: {  	[tilespmem:v2+s2+$0x0] =	vst.idx.add.f32.msk $0xffff, v3  }
0x167: {  	v2 =	vld [tilespmem:s31+$0x196A0];
	_ =	sdelay $0x2  }
0x168: {  	s0 =	simm.s32 $0xFFFFF840  }
0x169: {  	v3 =	vld [tilespmem:s0+$0x18ED0]  }
0x16a: {  	v4 =	vld [tilespmem:s31+$0x147A0];
	v2 =	vadd.s32 v1, v2;
	_ =	sdelay $0x3  }
0x16b: {  	v5 =	vld [tilespmem:s0+$0x13FD0];
	v3 =	vadd.s32 v1, v3  }
0x16c: {  	[tilespmem:v2+s2+$0x0] =	vst.idx.add.f32.msk $0xffff, v4  }
0x16d: {  	v2 =	vld [tilespmem:s31+$0x19E70];
	_ =	sdelay $0x2  }
0x16e: {  	[tilespmem:v3+s2+$0x0] =	vst.idx.add.f32.msk $0xffff, v5  }
0x16f: {  	v3 =	vld [tilespmem:s0+$0x196A0]  }
0x170: {  	v4 =	vld [tilespmem:s31+$0x14F70];
	v2 =	vadd.s32 v1, v2;
	_ =	sdelay $0x1  }
0x171: {  	s1 =	simm.s32 $0xFFFFF850  }
0x172: {  	v5 =	vld [tilespmem:s1+$0x18ED0]  }
0x173: {  	v6 =	vld [tilespmem:s0+$0x147A0];
	v3 =	vadd.s32 v1, v3  }
0x174: {  	[tilespmem:v2+s2+$0x0] =	vst.idx.add.f32.msk $0xffff, v4  }
0x175: {  	v2 =	vld [tilespmem:s31+$0x1A640];
	_ =	sdelay $0x1  }
0x176: {  	v4 =	vadd.s32 v1, v5;
	v5 =	vld [tilespmem:s1+$0x13FD0]  }
0x177: {  	[tilespmem:v3+s2+$0x0] =	vst.idx.add.f32.msk $0xffff, v6  }
0x178: {  	v7 =	vld [tilespmem:s0+$0x19E70]  }
0x179: {  	v6 =	vld [tilespmem:s31+$0x15740];
	v2 =	vadd.s32 v1, v2;
	_ =	sdelay $0x1  }
0x17a: {  	[tilespmem:v4+s2+$0x0] =	vst.idx.add.f32.msk $0xffff, v5  }
0x17b: {  	v5 =	vld [tilespmem:s1+$0x196A0]  }
0x17c: {  	v3 =	vld [tilespmem:s0+$0x14F70];
	v4 =	vadd.s32 v1, v7  }
0x17d: {  	[tilespmem:v2+s2+$0x0] =	vst.idx.add.f32.msk $0xffff, v6  }
0x17e: {  	s23 =	simm.s32 $0xFFFFE1C0;
	s18 =	simm.s32 $0xFFFFF860;
	v2 =	vld [tilespmem:s31+$0x1AE10]  }
.LBB2_12:
0x17f: {  	p1 =	sne.s32 s23, $0xFFFFFFC0;
	v6 =	vld [tilespmem:s18+$0x18ED0]  }
0x180: {  	v5 =	vadd.s32 v1, v5;
	v7 =	vld [tilespmem:s1+$0x147A0]  }
0x181: {  	[tilespmem:v4+s2+$0x0] =	vst.idx.add.f32.msk $0xffff, v3  }
0x182: {  	v3 =	vld [tilespmem:s0+$0x1A640]  }
0x183: {  	v2 =	vadd.s32 v1, v2;
	v4 =	vld [tilespmem:s31+$0x15F10];
	s31 =	smov.u32 s0;
	s0 =	smov.u32 s1;
	s1 =	smov.u32 s18  }
0x184: {  	v6 =	vadd.s32 v1, v6;
	v8 =	vld [tilespmem:s1+$0x13FD0]  }
0x185: {  	[tilespmem:v5+s2+$0x0] =	vst.idx.add.f32.msk $0xffff, v7  }
0x186: {  	v7 =	vld [tilespmem:s0+$0x19E70]  }
0x187: {  	v9 =	vadd.s32 v1, v3;
	v10 =	vld [tilespmem:s31+$0x15740]  }
0x188: {  	[tilespmem:v2+s2+$0x0] =	vst.idx.add.f32.msk $0xffff, v4  }
.Ltmp6:
0x189: {  	[tilespmem:v6+s2+$0x0] =	vst.idx.add.f32.msk $0xffff, v8;
	(pc) =	sbr.rel @p1 .LBB2_12-.Ltmp6, $4  }
0x18a: {  	v5 =	vld [tilespmem:s1+$0x196A0]  }
0x18b: {  	v4 =	vadd.s32 v1, v7;
	v3 =	vld [tilespmem:s0+$0x14F70]  }
0x18c: {  	[tilespmem:v9+s2+$0x0] =	vst.idx.add.f32.msk $0xffff, v10  }
0x18d: {  	s18 =	sshra.s32 s23, $0x2;
	s23 =	sadd.s32 $0x40, s23;
	v2 =	vld [tilespmem:s31+$0x1AE10]  }
0x18e: {  	v6 =	vld [tilespmem:s18+$0x18ED0];
	_ =	sdelay $0x4  }
0x18f: {  	v7 =	vld [tilespmem:s18+$0x13FD0];
	v6 =	vadd.s32 v1, v6;
	_ =	sdelay $0x4  }
0x190: {  	[tilespmem:v6+s2+$0x0] =	vst.idx.add.f32.msk $0xffff, v7  }
0x191: {  	v6 =	vld [tilespmem:s18+$0x196A0];
	_ =	sdelay $0x1  }
0x192: {  	v5 =	vadd.s32 v1, v5;
	v7 =	vld [tilespmem:s1+$0x147A0];
	_ =	sdelay $0x2  }
0x193: {  	v8 =	vld [tilespmem:s18+$0x147A0];
	v6 =	vadd.s32 v1, v6;
	_ =	sdelay $0x1  }
0x194: {  	[tilespmem:v5+s2+$0x0] =	vst.idx.add.f32.msk $0xffff, v7  }
0x195: {  	v5 =	vld [tilespmem:s1+$0x19E70];
	_ =	sdelay $0x1  }
0x196: {  	[tilespmem:v6+s2+$0x0] =	vst.idx.add.f32.msk $0xffff, v8  }
0x197: {  	v6 =	vld [tilespmem:s18+$0x19E70];
	_ =	sdelay $0x1  }
0x198: {  	v7 =	vld [tilespmem:s1+$0x14F70];
	v5 =	vadd.s32 v1, v5;
	_ =	sdelay $0x1  }
0x199: {  	[tilespmem:v4+s2+$0x0] =	vst.idx.add.f32.msk $0xffff, v3  }
0x19a: {  	v8 =	vld [tilespmem:s18+$0x14F70];
	v6 =	vadd.s32 v1, v6  }
0x19b: {  	v3 =	vld [tilespmem:s0+$0x1A640]  }
0x19c: {  	[tilespmem:v5+s2+$0x0] =	vst.idx.add.f32.msk $0xffff, v7  }
0x19d: {  	v4 =	vld [tilespmem:s1+$0x1A640];
	_ =	sdelay $0x1  }
0x19e: {  	[tilespmem:v6+s2+$0x0] =	vst.idx.add.f32.msk $0xffff, v8  }
0x19f: {  	v5 =	vld [tilespmem:s18+$0x1A640]  }
0x1a0: {  	v3 =	vadd.s32 v1, v3;
	v6 =	vld [tilespmem:s0+$0x15740]  }
0x1a1: {  	v7 =	vld [tilespmem:s1+$0x15740];
	v4 =	vadd.s32 v1, v4;
	_ =	sdelay $0x2  }
0x1a2: {  	v8 =	vld [tilespmem:s18+$0x15740];
	v5 =	vadd.s32 v1, v5  }
0x1a3: {  	[tilespmem:v3+s2+$0x0] =	vst.idx.add.f32.msk $0xffff, v6  }
0x1a4: {  	[tilespmem:v4+s2+$0x0] =	vst.idx.add.f32.msk $0xffff, v7  }
0x1a5: {  	v3 =	vld [tilespmem:s0+$0x1AE10]  }
0x1a6: {  	v4 =	vld [tilespmem:s1+$0x1AE10]  }
0x1a7: {  	[tilespmem:v5+s2+$0x0] =	vst.idx.add.f32.msk $0xffff, v8  }
0x1a8: {  	v5 =	vld [tilespmem:s18+$0x1AE10];
	_ =	sdelay $0x1  }
0x1a9: {  	v2 =	vadd.s32 v1, v2;
	v6 =	vld [tilespmem:s31+$0x15F10]  }
0x1aa: {  	v7 =	vld [tilespmem:s0+$0x15F10];
	v3 =	vadd.s32 v1, v3  }
0x1ab: {  	v63 =	vld [tilespmem:s1+$0x15F10];
	v4 =	vadd.s32 v1, v4  }
0x1ac: {  	v9 =	vld [tilespmem:s18+$0x15F10];
	v5 =	vadd.s32 v1, v5;
	_ =	sdelay $0x1  }
0x1ad: {  	[tilespmem:v2+s2+$0x0] =	vst.idx.add.f32.msk $0xffff, v6  }
0x1ae: {  	[tilespmem:v3+s2+$0x0] =	vst.idx.add.f32.msk $0xffff, v7  }
0x1af: {  	[tilespmem:v4+s2+$0x0] =	vst.idx.add.f32.msk $0xffff, v63  }
0x1b0: {  	[tilespmem:v5+s2+$0x0] =	vst.idx.add.f32.msk $0xffff, v9  }
0x1b1: {  	_ =	swait.ge [sflag:s19], $0x2710  }
0x1b2: {  	[sflag:s19] =	ssyncset.done $0x0  }
0x1b3: {  	[sflag:s19] =	ssyncadd.s32 $0xFFFFD8F0  }
0x1b4: {  	_ =	swait.ge [sflag:s19], $0x2710  }
0x1b5: {  	[sflag:s19] =	ssyncset.done $0x0  }
0x1b6: {  	s31 =	simm.s32 $0xFFFFF830;
	[sflag:s19] =	ssyncadd.s32 $0xFFFFD8F0  }
0x1b7: {  	v2 =	vld [tilespmem:s31+$0x16750];
	_ =	sdelay $0x4  }
0x1b8: {  	v3 =	vld [tilespmem:s31+$0x11850];
	v2 =	vadd.s32 v1, v2;
	_ =	sdelay $0x4  }
0x1b9: {  	[tilespmem:v2+s2+$0x0] =	vst.idx.add.f32.msk $0xffff, v3  }
0x1ba: {  	v2 =	vld [tilespmem:s31+$0x16F20];
	_ =	sdelay $0x2  }
0x1bb: {  	s0 =	simm.s32 $0xFFFFF840  }
0x1bc: {  	v3 =	vld [tilespmem:s0+$0x16750]  }
0x1bd: {  	v4 =	vld [tilespmem:s31+$0x12020];
	v2 =	vadd.s32 v1, v2;
	_ =	sdelay $0x3  }
0x1be: {  	v5 =	vld [tilespmem:s0+$0x11850];
	v3 =	vadd.s32 v1, v3  }
0x1bf: {  	[tilespmem:v2+s2+$0x0] =	vst.idx.add.f32.msk $0xffff, v4  }
0x1c0: {  	v2 =	vld [tilespmem:s31+$0x176F0];
	_ =	sdelay $0x2  }
0x1c1: {  	[tilespmem:v3+s2+$0x0] =	vst.idx.add.f32.msk $0xffff, v5  }
0x1c2: {  	v3 =	vld [tilespmem:s0+$0x16F20]  }
0x1c3: {  	v4 =	vld [tilespmem:s31+$0x127F0];
	v2 =	vadd.s32 v1, v2;
	_ =	sdelay $0x1  }
0x1c4: {  	s1 =	simm.s32 $0xFFFFF850  }
0x1c5: {  	v5 =	vld [tilespmem:s1+$0x16750]  }
0x1c6: {  	v6 =	vld [tilespmem:s0+$0x12020];
	v3 =	vadd.s32 v1, v3  }
0x1c7: {  	[tilespmem:v2+s2+$0x0] =	vst.idx.add.f32.msk $0xffff, v4  }
0x1c8: {  	v2 =	vld [tilespmem:s31+$0x17EC0];
	_ =	sdelay $0x1  }
0x1c9: {  	v4 =	vadd.s32 v1, v5;
	v5 =	vld [tilespmem:s1+$0x11850]  }
0x1ca: {  	[tilespmem:v3+s2+$0x0] =	vst.idx.add.f32.msk $0xffff, v6  }
0x1cb: {  	v7 =	vld [tilespmem:s0+$0x176F0]  }
0x1cc: {  	v6 =	vld [tilespmem:s31+$0x12FC0];
	v2 =	vadd.s32 v1, v2;
	_ =	sdelay $0x1  }
0x1cd: {  	[tilespmem:v4+s2+$0x0] =	vst.idx.add.f32.msk $0xffff, v5  }
0x1ce: {  	v5 =	vld [tilespmem:s1+$0x16F20]  }
0x1cf: {  	v3 =	vld [tilespmem:s0+$0x127F0];
	v4 =	vadd.s32 v1, v7  }
0x1d0: {  	[tilespmem:v2+s2+$0x0] =	vst.idx.add.f32.msk $0xffff, v6  }
0x1d1: {  	s23 =	simm.s32 $0xFFFFE1C0;
	s18 =	simm.s32 $0xFFFFF860;
	v2 =	vld [tilespmem:s31+$0x18690]  }
.LBB2_14:
0x1d2: {  	p1 =	sne.s32 s23, $0xFFFFFFC0;
	v6 =	vld [tilespmem:s18+$0x16750]  }
0x1d3: {  	v5 =	vadd.s32 v1, v5;
	v7 =	vld [tilespmem:s1+$0x12020]  }
0x1d4: {  	[tilespmem:v4+s2+$0x0] =	vst.idx.add.f32.msk $0xffff, v3  }
0x1d5: {  	v3 =	vld [tilespmem:s0+$0x17EC0]  }
0x1d6: {  	v2 =	vadd.s32 v1, v2;
	v4 =	vld [tilespmem:s31+$0x13790];
	s31 =	smov.u32 s0;
	s0 =	smov.u32 s1;
	s1 =	smov.u32 s18  }
0x1d7: {  	v6 =	vadd.s32 v1, v6;
	v8 =	vld [tilespmem:s1+$0x11850]  }
0x1d8: {  	[tilespmem:v5+s2+$0x0] =	vst.idx.add.f32.msk $0xffff, v7  }
0x1d9: {  	v7 =	vld [tilespmem:s0+$0x176F0]  }
0x1da: {  	v9 =	vadd.s32 v1, v3;
	v10 =	vld [tilespmem:s31+$0x12FC0]  }
0x1db: {  	[tilespmem:v2+s2+$0x0] =	vst.idx.add.f32.msk $0xffff, v4  }
.Ltmp7:
0x1dc: {  	[tilespmem:v6+s2+$0x0] =	vst.idx.add.f32.msk $0xffff, v8;
	(pc) =	sbr.rel @p1 .LBB2_14-.Ltmp7, $4  }
0x1dd: {  	v5 =	vld [tilespmem:s1+$0x16F20]  }
0x1de: {  	v4 =	vadd.s32 v1, v7;
	v3 =	vld [tilespmem:s0+$0x127F0]  }
0x1df: {  	[tilespmem:v9+s2+$0x0] =	vst.idx.add.f32.msk $0xffff, v10  }
0x1e0: {  	s18 =	sshra.s32 s23, $0x2;
	s23 =	sadd.s32 $0x40, s23;
	v2 =	vld [tilespmem:s31+$0x18690]  }
0x1e1: {  	v6 =	vld [tilespmem:s18+$0x16750];
	_ =	sdelay $0x4  }
0x1e2: {  	v7 =	vld [tilespmem:s18+$0x11850];
	v6 =	vadd.s32 v1, v6;
	_ =	sdelay $0x4  }
0x1e3: {  	[tilespmem:v6+s2+$0x0] =	vst.idx.add.f32.msk $0xffff, v7  }
0x1e4: {  	v6 =	vld [tilespmem:s18+$0x16F20];
	_ =	sdelay $0x2  }
0x1e5: {  	v58 =	vld [tilespmem:s1+$0x12020];
	v5 =	vadd.s32 v1, v5;
	_ =	sdelay $0x1  }
0x1e6: {  	v8 =	vld [tilespmem:s18+$0x12020];
	v6 =	vadd.s32 v1, v6;
	_ =	sdelay $0x2  }
0x1e7: {  	[tilespmem:v5+s2+$0x0] =	vst.idx.add.f32.msk $0xffff, v58  }
0x1e8: {  	v5 =	vld [tilespmem:s1+$0x176F0]  }
0x1e9: {  	[tilespmem:v6+s2+$0x0] =	vst.idx.add.f32.msk $0xffff, v8  }
0x1ea: {  	v6 =	vld [tilespmem:s18+$0x176F0];
	_ =	sdelay $0x2  }
0x1eb: {  	v7 =	vld [tilespmem:s1+$0x127F0];
	v5 =	vadd.s32 v1, v5;
	_ =	sdelay $0x1  }
0x1ec: {  	v8 =	vld [tilespmem:s18+$0x127F0];
	v6 =	vadd.s32 v1, v6  }
0x1ed: {  	[tilespmem:v4+s2+$0x0] =	vst.idx.add.f32.msk $0xffff, v3  }
0x1ee: {  	v3 =	vld [tilespmem:s0+$0x17EC0]  }
0x1ef: {  	[tilespmem:v5+s2+$0x0] =	vst.idx.add.f32.msk $0xffff, v7  }
0x1f0: {  	v59 =	vld [tilespmem:s1+$0x17EC0]  }
0x1f1: {  	[tilespmem:v6+s2+$0x0] =	vst.idx.add.f32.msk $0xffff, v8  }
0x1f2: {  	v60 =	vld [tilespmem:s18+$0x17EC0]  }
0x1f3: {  	v61 =	vld [tilespmem:s0+$0x12FC0];
	v3 =	vadd.s32 v1, v3;
	_ =	sdelay $0x1  }
0x1f4: {  	v7 =	vld [tilespmem:s1+$0x12FC0];
	v4 =	vadd.s32 v1, v59;
	_ =	sdelay $0x1  }
0x1f5: {  	v8 =	vld [tilespmem:s18+$0x12FC0];
	v5 =	vadd.s32 v1, v60  }
0x1f6: {  	[tilespmem:v3+s2+$0x0] =	vst.idx.add.f32.msk $0xffff, v61  }
0x1f7: {  	v3 =	vld [tilespmem:s0+$0x18690]  }
0x1f8: {  	[tilespmem:v4+s2+$0x0] =	vst.idx.add.f32.msk $0xffff, v7  }
0x1f9: {  	v4 =	vld [tilespmem:s1+$0x18690]  }
0x1fa: {  	[tilespmem:v5+s2+$0x0] =	vst.idx.add.f32.msk $0xffff, v8  }
0x1fb: {  	v5 =	vld [tilespmem:s18+$0x18690]  }
0x1fc: {  	v62 =	vld [tilespmem:s31+$0x13790];
	v2 =	vadd.s32 v1, v2;
	_ =	sdelay $0x1  }
0x1fd: {  	s23 =	sshll.u32 s30, $0x2;
	v63 =	vld [tilespmem:s0+$0x13790];
	v3 =	vadd.s32 v1, v3  }
0x1fe: {  	s0 =	sand.u32 $0xFFFFFFC0, s23;
	v4 =	vadd.s32 v1, v4;
	v8 =	vld [tilespmem:s1+$0x13790]  }
0x1ff: {  	s0 =	sshra.s32 s0, $0x2;
	v9 =	vld [tilespmem:s18+$0x13790];
	v5 =	vadd.s32 v1, v5  }
0x200: {  	[tilespmem:v2+s2+$0x0] =	vst.idx.add.f32.msk $0xffff, v62;
	v2 =	vmov s0;
	_ =	sdelay $0x1  }
.Ltmp8:
0x201: {  	[tilespmem:v3+s2+$0x0] =	vst.idx.add.f32.msk $0xffff, v63;
	(pc) =	sbr.rel @p0 .LBB2_16-.Ltmp8, $4  }
0x202: {  	[tilespmem:v4+s2+$0x0] =	vst.idx.add.f32.msk $0xffff, v8  }
0x203: {  	s31 =	simm.s32 $0x0;
	[tilespmem:v5+s2+$0x0] =	vst.idx.add.f32.msk $0xffff, v9  }
0x204: {  	s30 =	simm.s32 $0x10080;
	p1 =	por $0x0, $0x0;
	v9 =	vld.idx.msk [tilespmem:v2+s31+$0x0 ss:$0x1], $0xffff  }
0x205: {  	p2 =	por $0x0, $0x0;
	p3 =	por $0x0, $0x0;
	s0 =	sadd.s32 $0xFFFFFFFF, s29;
	v10 =	vld.idx.msk [tilespmem:v2+s31+$0x1001 ss:$0x1], $0xffff  }
0x206: {  	_ =	sdelay $0x3  }
0x207: {  	v3 =	vld.idx.msk [tilespmem:v2+s31+$0x2002 ss:$0x1], $0xffff;
	_ =	sdelay $0x1  }
0x208: {  	v4 =	vld.idx.msk [tilespmem:v2+s31+$0x3003 ss:$0x1], $0xffff  }
0x209: {  	v5 =	vadd.f32 v10, v9  }
0x20a: {  	v6 =	vld.idx.msk [tilespmem:v2+s31+$0x4004 ss:$0x1], $0xffff  }
0x20b: {  	v3 =	vadd.f32 v3, v5  }
0x20c: {  	v7 =	vld.idx.msk [tilespmem:v2+s31+$0x5005 ss:$0x1], $0xffff  }
0x20d: {  	v3 =	vadd.f32 v4, v3  }
0x20e: {  	p0 =	seq.s32 s0, $0x1;
	v4 =	vld.idx.msk [tilespmem:v2+s31+$0x6006 ss:$0x1], $0xffff  }
.Ltmp9:
0x20f: {  	v8 =	vld.idx.msk [tilespmem:v2+s31+$0x8008 ss:$0x1], $0xffff;
	s29 =	simm.s32 $0x10;
	v3 =	vadd.f32 v6, v3;
	(pc) =	sbr.rel @p0 .LBB2_18-.Ltmp9, $4  }
0x210: {  	v9 =	vld.idx.msk [tilespmem:v2+s29+$0x0 ss:$0x1], $0xffff  }
0x211: {  	v10 =	vld.idx.msk [tilespmem:v2+s29+$0x1001 ss:$0x1], $0xffff;
	v3 =	vadd.f32 v7, v3  }
0x212: {  	v5 =	vld.idx.msk [tilespmem:v2+s31+$0x9009 ss:$0x1], $0xffff  }
0x213: {  	s0 =	sadd.s32 $0xFFFFFFFF, s0;
	p1 =	por $0x1, $0x1;
	v6 =	vld.idx.msk [tilespmem:v2+s31+$0x7007 ss:$0x1], $0xffff;
	v12 =	vadd.f32 v4, v3  }
0x214: {  	_ =	sdelay $0x3  }
0x215: {  	v3 =	vld.idx.msk [tilespmem:v2+s31+$0xA00A ss:$0x1], $0xffff  }
0x216: {  	v4 =	vld.idx.msk [tilespmem:v2+s29+$0x2002 ss:$0x1], $0xffff;
	v6 =	vadd.f32 v6, v12  }
0x217: {  	v7 =	vld.idx.msk [tilespmem:v2+s31+$0xB00B ss:$0x1], $0xffff  }
0x218: {  	v11 =	vld.idx.msk [tilespmem:v2+s29+$0x3003 ss:$0x1], $0xffff;
	v6 =	vadd.f32 v8, v6  }
0x219: {  	v13 =	vld.idx.msk [tilespmem:v2+s31+$0xE00E ss:$0x1], $0xffff;
	v9 =	vadd.f32 v10, v9  }
0x21a: {  	v10 =	vld.idx.msk [tilespmem:v2+s29+$0x4004 ss:$0x1], $0xffff;
	v5 =	vadd.f32 v5, v6  }
0x21b: {  	v4 =	vadd.f32 v4, v9;
	v8 =	vld.idx.msk [tilespmem:v2+s31+$0xC00C ss:$0x1], $0xffff  }
0x21c: {  	v9 =	vld.idx.msk [tilespmem:v2+s29+$0x5005 ss:$0x1], $0xffff;
	v3 =	vadd.f32 v3, v5  }
0x21d: {  	v12 =	vld.idx.msk [tilespmem:v2+s31+$0xD00D ss:$0x1], $0xffff;
	v4 =	vadd.f32 v11, v4  }
0x21e: {  	v11 =	vld.idx.msk [tilespmem:v2+s29+$0x6006 ss:$0x1], $0xffff;
	v5 =	vadd.f32 v7, v3  }
0x21f: {  	p0 =	seq.s32 s0, $0x1;
	v6 =	vld.idx.msk [tilespmem:v2+s29+$0x7007 ss:$0x1], $0xffff;
	v4 =	vadd.f32 v10, v4  }
.Ltmp10:
0x220: {  	v3 =	vld.idx.msk [tilespmem:v2+s31+$0xF00F ss:$0x1], $0xffff;
	s31 =	simm.s32 $0x20;
	v7 =	vadd.f32 v8, v5;
	(pc) =	sbr.rel @p0 .LBB2_20-.Ltmp10, $4  }
0x221: {  	v4 =	vadd.f32 v9, v4;
	v9 =	vld.idx.msk [tilespmem:v2+s31+$0x0 ss:$0x1], $0xffff  }
0x222: {  	v10 =	vld.idx.msk [tilespmem:v2+s31+$0x1001 ss:$0x1], $0xffff;
	v7 =	vadd.f32 v12, v7  }
0x223: {  	v5 =	vld.idx.msk [tilespmem:v2+s29+$0x9009 ss:$0x1], $0xffff  }
0x224: {  	s0 =	sadd.s32 $0xFFFFFFFF, s0;
	p2 =	por $0x1, $0x1;
	v8 =	vld.idx.msk [tilespmem:v2+s29+$0x8008 ss:$0x1], $0xffff;
	v12 =	vadd.f32 v11, v4;
	v4 =	vadd.f32 v13, v7  }
0x225: {  	_ =	sdelay $0x3  }
0x226: {  	v7 =	vld.idx.msk [tilespmem:v2+s29+$0xA00A ss:$0x1], $0xffff  }
0x227: {  	v11 =	vld.idx.msk [tilespmem:v2+s31+$0x2002 ss:$0x1], $0xffff;
	v6 =	vadd.f32 v6, v12  }
0x228: {  	v13 =	vld.idx.msk [tilespmem:v2+s31+$0x3003 ss:$0x1], $0xffff  }
0x229: {  	v14 =	vld.idx.msk [tilespmem:v2+s29+$0xD00D ss:$0x1], $0xffff;
	v6 =	vadd.f32 v8, v6  }
0x22a: {  	v12 =	vld.idx.msk [tilespmem:v2+s29+$0xB00B ss:$0x1], $0xffff  }
0x22b: {  	v9 =	vadd.f32 v10, v9;
	v10 =	vld.idx.msk [tilespmem:v2+s31+$0x4004 ss:$0x1], $0xffff;
	v5 =	vadd.f32 v5, v6  }
0x22c: {  	v8 =	vld.idx.msk [tilespmem:v2+s29+$0xC00C ss:$0x1], $0xffff  }
0x22d: {  	v6 =	vadd.f32 v11, v9;
	v9 =	vld.idx.msk [tilespmem:v2+s31+$0x5005 ss:$0x1], $0xffff;
	v5 =	vadd.f32 v7, v5  }
0x22e: {  	v11 =	vld.idx.msk [tilespmem:v2+s29+$0xE00E ss:$0x1], $0xffff  }
0x22f: {  	v6 =	vadd.f32 v13, v6;
	v13 =	vld.idx.msk [tilespmem:v2+s31+$0x6006 ss:$0x1], $0xffff;
	v5 =	vadd.f32 v12, v5  }
0x230: {  	p0 =	seq.s32 s0, $0x1;
	v7 =	vld.idx.msk [tilespmem:v2+s29+$0xF00F ss:$0x1], $0xffff  }
.Ltmp11:
0x231: {  	v10 =	vadd.f32 v10, v6;
	v6 =	vld.idx.msk [tilespmem:v2+s31+$0x7007 ss:$0x1], $0xffff;
	v12 =	vadd.f32 v8, v5;
	(pc) =	sbr.rel @p0 .LBB2_22-.Ltmp11, $4  }
0x232: {  	v15 =	vadd.f32 v3, v4;
	v5 =	vld.idx.msk [tilespmem:v2+s31+$0x9009 ss:$0x1], $0xffff  }
0x233: {  	s29 =	simm.s32 $0x30;
	v16 =	vadd.f32 v9, v10;
	v8 =	vld.idx.msk [tilespmem:v2+s31+$0x8008 ss:$0x1], $0xffff;
	v14 =	vadd.f32 v14, v12  }
0x234: {  	v9 =	vld.idx.msk [tilespmem:v2+s29+$0x0 ss:$0x1], $0xffff  }
0x235: {  	s1 =	sadd.s32 $0xFFFFFFFF, s0;
	p3 =	por $0x1, $0x1;
	s0 =	simm.s32 $0x10080;
	[tilespmem:v2+s30+$0x0 ss:$0x1] =	vst.idx.msk $0xffff, v15;
	v10 =	vld.idx.msk [tilespmem:v2+s29+$0x1001 ss:$0x1], $0xffff;
	v12 =	vadd.f32 v13, v16;
	v11 =	vadd.f32 v11, v14  }
.LBB2_23:
0x236: {  	p0 =	seq.s32 s1, $0x1;
	v13 =	vld.idx.msk [tilespmem:v2+s31+$0xA00A ss:$0x1], $0xffff  }
0x237: {  	v14 =	vld.idx.msk [tilespmem:v2+s29+$0x2002 ss:$0x1], $0xffff;
	v6 =	vadd.f32 v6, v12;
	v7 =	vadd.f32 v7, v11  }
0x238: {  	s0 =	sadd.s32 $0x10, s0;
	v11 =	vld.idx.msk [tilespmem:v2+s31+$0xB00B ss:$0x1], $0xffff  }
0x239: {  	v12 =	vld.idx.msk [tilespmem:v2+s29+$0x3003 ss:$0x1], $0xffff;
	v6 =	vadd.f32 v8, v6;
	[tilespmem:v2+s0+$0x0 ss:$0x1] =	vst.idx.msk $0xffff, v7  }
0x23a: {  	v8 =	vld.idx.msk [tilespmem:v2+s31+$0xC00C ss:$0x1], $0xffff  }
0x23b: {  	v7 =	vadd.f32 v10, v9;
	v9 =	vld.idx.msk [tilespmem:v2+s29+$0x4004 ss:$0x1], $0xffff;
	v5 =	vadd.f32 v5, v6  }
0x23c: {  	v10 =	vld.idx.msk [tilespmem:v2+s31+$0xD00D ss:$0x1], $0xffff  }
0x23d: {  	v6 =	vadd.f32 v14, v7;
	v14 =	vld.idx.msk [tilespmem:v2+s29+$0x5005 ss:$0x1], $0xffff;
	v5 =	vadd.f32 v13, v5  }
0x23e: {  	v13 =	vld.idx.msk [tilespmem:v2+s31+$0xE00E ss:$0x1], $0xffff  }
0x23f: {  	v6 =	vadd.f32 v12, v6;
	v12 =	vld.idx.msk [tilespmem:v2+s29+$0x6006 ss:$0x1], $0xffff;
	v5 =	vadd.f32 v11, v5  }
0x240: {  	v7 =	vld.idx.msk [tilespmem:v2+s31+$0xF00F ss:$0x1], $0xffff;
	s31 =	smov.u32 s29  }
.Ltmp12:
0x241: {  	v9 =	vadd.f32 v9, v6;
	v6 =	vld.idx.msk [tilespmem:v2+s29+$0x7007 ss:$0x1], $0xffff;
	v11 =	vadd.f32 v8, v5;
	(pc) =	sbr.rel @!p0 .LBB2_23-.Ltmp12, $4  }
0x242: {  	v5 =	vld.idx.msk [tilespmem:v2+s29+$0x9009 ss:$0x1], $0xffff  }
0x243: {  	v14 =	vadd.f32 v14, v9;
	s29 =	sadd.s32 $0x10, s29;
	v8 =	vld.idx.msk [tilespmem:v2+s31+$0x8008 ss:$0x1], $0xffff;
	v11 =	vadd.f32 v10, v11  }
0x244: {  	v9 =	vld.idx.msk [tilespmem:v2+s29+$0x0 ss:$0x1], $0xffff  }
0x245: {  	s1 =	sadd.s32 $0xFFFFFFFF, s1;
	v12 =	vadd.f32 v12, v14;
	v10 =	vld.idx.msk [tilespmem:v2+s29+$0x1001 ss:$0x1], $0xffff;
	v11 =	vadd.f32 v13, v11  }
.LBB2_24:
0x246: {  	_ =	sdelay $0x3  }
0x247: {  	v13 =	vld.idx.msk [tilespmem:v2+s29+$0x2002 ss:$0x1], $0xffff;
	_ =	sdelay $0x1  }
0x248: {  	v14 =	vld.idx.msk [tilespmem:v2+s29+$0x3003 ss:$0x1], $0xffff  }
0x249: {  	v9 =	vadd.f32 v10, v9  }
0x24a: {  	v49 =	vld.idx.msk [tilespmem:v2+s29+$0x4004 ss:$0x1], $0xffff  }
0x24b: {  	v9 =	vadd.f32 v13, v9  }
0x24c: {  	v50 =	vld.idx.msk [tilespmem:v2+s29+$0x5005 ss:$0x1], $0xffff  }
0x24d: {  	v9 =	vadd.f32 v14, v9  }
0x24e: {  	v51 =	vld.idx.msk [tilespmem:v2+s29+$0x6006 ss:$0x1], $0xffff  }
0x24f: {  	v9 =	vadd.f32 v49, v9  }
0x250: {  	v52 =	vld.idx.msk [tilespmem:v2+s29+$0x7007 ss:$0x1], $0xffff  }
0x251: {  	v9 =	vadd.f32 v50, v9  }
0x252: {  	v53 =	vld.idx.msk [tilespmem:v2+s29+$0x8008 ss:$0x1], $0xffff  }
0x253: {  	v54 =	vld.idx.msk [tilespmem:v2+s29+$0x9009 ss:$0x1], $0xffff;
	v6 =	vadd.f32 @p1 v6, v12;
	v9 =	vadd.f32 v51, v9  }
0x254: {  	v12 =	vld.idx.msk @p1 [tilespmem:v2+s31+$0xA00A ss:$0x1], $0xffff  }
0x255: {  	v55 =	vld.idx.msk [tilespmem:v2+s29+$0xA00A ss:$0x1], $0xffff;
	v6 =	vadd.f32 @p1 v8, v6;
	v9 =	vadd.f32 v52, v9  }
0x256: {  	v8 =	vld.idx.msk @p1 [tilespmem:v2+s31+$0xB00B ss:$0x1], $0xffff  }
0x257: {  	v56 =	vld.idx.msk [tilespmem:v2+s29+$0xB00B ss:$0x1], $0xffff;
	v5 =	vadd.f32 @p1 v5, v6;
	v9 =	vadd.f32 v53, v9  }
0x258: {  	v6 =	vld.idx.msk @p1 [tilespmem:v2+s31+$0xC00C ss:$0x1], $0xffff  }
0x259: {  	v57 =	vld.idx.msk [tilespmem:v2+s29+$0xC00C ss:$0x1], $0xffff;
	v5 =	vadd.f32 @p1 v12, v5;
	v9 =	vadd.f32 v54, v9  }
0x25a: {  	v12 =	vld.idx.msk @p1 [tilespmem:v2+s31+$0xD00D ss:$0x1], $0xffff  }
0x25b: {  	v58 =	vld.idx.msk [tilespmem:v2+s29+$0xD00D ss:$0x1], $0xffff;
	v5 =	vadd.f32 @p1 v8, v5;
	v9 =	vadd.f32 v55, v9  }
0x25c: {  	v8 =	vld.idx.msk @p1 [tilespmem:v2+s31+$0xE00E ss:$0x1], $0xffff  }
0x25d: {  	v59 =	vld.idx.msk [tilespmem:v2+s29+$0xE00E ss:$0x1], $0xffff;
	v5 =	vadd.f32 @p1 v6, v5;
	v9 =	vadd.f32 v56, v9  }
0x25e: {  	v6 =	vld.idx.msk @p1 [tilespmem:v2+s31+$0xF00F ss:$0x1], $0xffff  }
0x25f: {  	v5 =	vadd.f32 @p1 v12, v5;
	v9 =	vadd.f32 v57, v9  }
0x260: {  	v60 =	vld.idx.msk [tilespmem:v2+s29+$0xF00F ss:$0x1], $0xffff  }
0x261: {  	s0 =	sadd.s32 @p3 $0x10, s0;
	s1 =	simm.s32 $0x10080;
	v5 =	vadd.f32 @p1 v8, v5;
	v61 =	vadd.f32 v58, v9  }
0x262: {  	v7 =	vadd.f32 @p2 v7, v11;
	s1 =	smov.u32 @p3 s0  }
0x263: {  	s18 =	simm.s32 $0x10080;
	s0 =	sadd.s32 @p2 $0x10, s1;
	v3 =	vpsel p1, v6, v3;
	v4 =	vpsel p1, v5, v4;
	v62 =	vadd.f32 v59, v61  }
0x264: {  	s18 =	smov.u32 @p2 s0;
	v3 =	vadd.f32 @p1 v3, v4  }
0x265: {  	[tilespmem:v2+s1+$0x0 ss:$0x1] =	vst.idx.msk @p2 $0xffff, v7;
	s0 =	sadd.s32 @p1 $0x10, s18;
	v63 =	vadd.f32 v60, v62  }
0x266: {  	s28 =	sadd.s32 $0x1, s28;
	s30 =	smov.u32 @p1 s0;
	[tilespmem:v2+s18+$0x0 ss:$0x1] =	vst.idx.msk @p1 $0xffff, v3  }
0x267: {  	p0 =	seq.s32 s28, s15;
	s31 =	simm.s32 $0x80;
	[tilespmem:v2+s30+$0x0 ss:$0x1] =	vst.idx.msk $0xffff, v63  }
0x268: {  	[hbm4b:s14+s31] =	stream.strided.scatter [tilespmem:s25], [sflag:$0x3], $0x1000, s24, s31, $0x38;
	[tilespmem:$0x1AF00] =	vst v63  }
.Ltmp13:
0x269: {  	_ = 	snop;
	(pc) =	sbr.rel @!p0 .LBB2_1-.Ltmp13, $4  }
.Ltmp14:
0x26a: {  	_ = 	snop;
	(pc) =	sbr.rel @p0 .LBB2_25-.Ltmp14, $4  }
0x26b: {  	_ =	swait.ge [sflag:s26], $0x1000  }
0x26c: {  	[sflag:s26] =	ssyncset.done $0x0  }
0x26d: {  	[sflag:s26] =	ssyncadd.s32 $0xFFFFF000  }
0x26e: {  	_ = 	snop  }
.LBB2_16:
.Ltmp15:
0x26f: {  	(pc) =	sbr.rel .LBB2_24-.Ltmp15, $2  }
0x270: {  	_ =	sdelay $0x2  }
0x271: {  	s29 =	simm.s32 $0x0;
	s0 =	simm.s32 $0x10080  }
.LBB2_18:
.Ltmp16:
0x272: {  	(pc) =	sbr.rel .LBB2_24-.Ltmp16, $2  }
0x273: {  	_ =	sdelay $0x2  }
0x274: {  	s0 =	simm.s32 $0x10080  }
.LBB2_20:
.Ltmp17:
0x275: {  	(pc) =	sbr.rel .LBB2_24-.Ltmp17, $2  }
0x276: {  	_ =	sdelay $0x2  }
0x277: {  	s31 =	simm.s32 $0x10;
	s29 =	simm.s32 $0x20;
	v7 =	vmov v3;
	s0 =	simm.s32 $0x10080;
	v11 =	vmov v4  }
.LBB2_22:
.Ltmp18:
0x278: {  	(pc) =	sbr.rel .LBB2_24-.Ltmp18, $2  }
0x279: {  	_ =	sdelay $0x2  }
0x27a: {  	s0 =	simm.s32 $0x10080  }
.LBB2_25:
0x27b: {  	_ =	sfence.sel $0x180000  }
0x27c: {  	[bflag:$0x0] =	sbarrier.arrive $0xFFFF  }
0x27d: {  	_ =	strace $0x90000047  }
0x27e: {  	s0 =	stileid.u32;
	[bflag:$0x2] =	sbarrier.arrive $0xFFFF  }
0x27f: {  	p0 =	sne.s32 s0, $0x0;
	s0 =	rddreg [dreg:$0x3]  }
0x280: {  	s0 =	sadd.s32 @!p0 $0x100000, s0  }
0x281: {  	[sflag:s0] =	ssyncadd.tile.s32 @!p0 $0x1;
	_ =	shalt  }
.Lfunc_end2:
_tile_overlayer_lowered:
.L_overlay_start_2:
0x282: {  	(tag) =	ssettag $0x2  }
0x283: {  	s0 =	rddreg [dreg:$0x0];
	s2 =	stileid.u32  }
0x284: {  	s1 =	rddreg [dreg:$0x1];
	p0 =	sne.s32 s2, $0x0  }
0x285: {  	s3 =	rddreg [dreg:$0x2];
	[bflag:$0x3] =	sbarrier.arrive $0xFFFF;
	s2 =	simm.s32 @!p0 $0x1C03  }
0x286: {  	[timem:s3], [sflag:s2] =	dma.local @!p0 [hbm:s0], s1  }
0x287: {  	s0 =	simm.s32 @!p0 $0x3  }
0x288: {  	_ =	swait.ge @!p0 [sflag:s0], s1  }
0x289: {  	s1 =	ssub.s32 @!p0 $0x0, s1;
	[sflag:s0] =	ssyncset.done @!p0 $0x0  }
0x28a: {  	[sflag:s0] =	ssyncadd.s32 @!p0 s1  }
0x28b: {  	[bflag:$0x3] =	sbarrier.arrive $0xFFFF  }
0x28c: {  	_ =	shalt  }

</sc_bundles>
